<compile_context>
chip_gen: v7x
topology: tpu7x:2x2x1
jax: 0.10.2.dev20260603
libtpu: 0.0.44.dev20260713+nightly
codegen_flags: <defaults>
</compile_context>

<pallas_src>
import functools
import numpy as np
import jax
import jax.numpy as jnp
from jax.experimental import pallas as pl
from jax.experimental.pallas import tpu as pltpu
from jax.experimental.pallas import tpu_sc as plsc

B, N, S, K = 8, 4096, 1024, 32
R2 = np.float32(np.float64(0.2) ** 2)
M = B * S
NTOT = K * M
EPS = np.float32(1e-5)
SBLK = 256
HIGH = jax.lax.Precision.HIGHEST



def _fps_body(xyz_ref, out_ref):
    x = xyz_ref[:, 0, :]
    y = xyz_ref[:, 1, :]
    z = xyz_ref[:, 2, :]
    lane_n = jax.lax.broadcasted_iota(jnp.int32, (B, N), 1)
    lane_s = jax.lax.broadcasted_iota(jnp.int32, (B, S), 1)

    def step(t, carry):
        dist, far, ax, ay, az = carry
        oh = (lane_n == far).astype(jnp.float32)
        cx = jnp.sum(x * oh, axis=1, keepdims=True)
        cy = jnp.sum(y * oh, axis=1, keepdims=True)
        cz = jnp.sum(z * oh, axis=1, keepdims=True)
        ohs = (lane_s == t).astype(jnp.float32)
        ax = ax + cx * ohs
        ay = ay + cy * ohs
        az = az + cz * ohs
        dx = x - cx
        dy = y - cy
        dz = z - cz
        d = dx * dx + dy * dy + dz * dz
        dist = jnp.minimum(dist, d)
        m = jnp.max(dist, axis=1, keepdims=True)
        far = jnp.min(jnp.where(dist == m, lane_n, N), axis=1, keepdims=True)
        return dist, far, ax, ay, az

    dist0 = jnp.full((B, N), 1e10, jnp.float32)
    far0 = jnp.zeros((B, 1), jnp.int32)
    zS = jnp.zeros((B, S), jnp.float32)
    _, _, ax, ay, az = jax.lax.fori_loop(0, S, step, (dist0, far0, zS, zS, zS))
    out_ref[:, 0, :] = ax
    out_ref[:, 1, :] = ay
    out_ref[:, 2, :] = az


def _fps_call(point_xyz):
    return pl.pallas_call(
        _fps_body,
        out_shape=jax.ShapeDtypeStruct((B, 3, S), jnp.float32),
    )(point_xyz)



def _ballq_body(xyz_ref, nxt_ref, out_ref):
    b = pl.program_id(0)
    sb = pl.program_id(1)
    px = xyz_ref[0]
    cn = nxt_ref[0]
    cc = jnp.sum(cn * cn, axis=1, keepdims=True)
    pp = jnp.sum(px * px, axis=0, keepdims=True)
    mm = jnp.dot(cn, px, preferred_element_type=jnp.float32)
    d2 = (cc + pp) - 2.0 * mm
    mask = (d2 <= R2).astype(jnp.bfloat16)
    nch = N // 128
    li = jax.lax.broadcasted_iota(jnp.int32, (128, 128), 0)
    lj = jax.lax.broadcasted_iota(jnp.int32, (128, 128), 1)
    ut = (li <= lj).astype(jnp.bfloat16)
    intras = [jnp.dot(mask[:, c * 128:(c + 1) * 128], ut,
                      preferred_element_type=jnp.float32)
              for c in range(nch)]
    cs = jnp.concatenate([ic[:, 127:128] for ic in intras], axis=1)
    ci = jax.lax.broadcasted_iota(jnp.int32, (nch, nch), 0)
    cj = jax.lax.broadcasted_iota(jnp.int32, (nch, nch), 1)
    uts = (ci < cj).astype(jnp.float32)
    csx = jnp.dot(cs, uts, precision=HIGH,
                  preferred_element_type=jnp.float32)
    rank = jnp.concatenate(
        [intras[c] + csx[:, c:c + 1] for c in range(nch)], axis=1)
    count = rank[:, N - 1:N]
    raws = [jnp.sum((rank <= j).astype(jnp.float32), axis=1, keepdims=True)
            for j in range(K)]
    raw = jnp.concatenate(raws, axis=1).astype(jnp.int32)
    count = count.astype(jnp.int32)
    jv = jax.lax.broadcasted_iota(jnp.int32, (SBLK, K), 1)
    idx = jnp.where(jv < count, raw, raw[:, 0:1]) + b * N
    ki = jax.lax.broadcasted_iota(jnp.int32, (K, K), 0)
    kj = jax.lax.broadcasted_iota(jnp.int32, (K, K), 1)
    eyek = (ki == kj).astype(jnp.float32)
    idx_t = jax.lax.dot_general(eyek, idx.astype(jnp.float32),
                                (((1,), (1,)), ((), ())), precision=HIGH,
                                preferred_element_type=jnp.float32)
    out_ref[:, pl.ds(b, 1), pl.ds(sb * SBLK, SBLK)] = (
        idx_t.astype(jnp.int32)[:, None, :])


def _ballq_call(point_xyz, nxt):
    return pl.pallas_call(
        _ballq_body,
        grid=(B, S // SBLK),
        in_specs=[
            pl.BlockSpec((1, 3, N), lambda b, sb: (b, 0, 0)),
            pl.BlockSpec((1, SBLK, 3), lambda b, sb: (b, sb, 0)),
        ],
        out_specs=pl.BlockSpec((K, B, S), lambda b, sb: (0, 0, 0)),
        out_shape=jax.ShapeDtypeStruct((K, B, S), jnp.int32),
    )(point_xyz, nxt)



def _pts_body(xyz_ref, ft_ref, w_ref, o_ref):
    px = xyz_ref[0]
    pf = ft_ref[0]
    dn = (((0,), (0,)), ((), ()))
    p = (jax.lax.dot_general(px, w_ref[0:3, :], dn, precision=HIGH,
                             preferred_element_type=jnp.float32)
         + jax.lax.dot_general(pf, w_ref[3:6, :], dn, precision=HIGH,
                               preferred_element_type=jnp.float32))
    o_ref[...] = p


def _pts_call(point_xyz, point_features, w1):
    return pl.pallas_call(
        _pts_body,
        grid=(B,),
        in_specs=[
            pl.BlockSpec((1, 3, N), lambda b: (b, 0, 0)),
            pl.BlockSpec((1, 3, N), lambda b: (b, 0, 0)),
            pl.BlockSpec((6, 32), lambda b: (0, 0)),
        ],
        out_specs=pl.BlockSpec((N, 32), lambda b: (b, 0)),
        out_shape=jax.ShapeDtypeStruct((B * N, 32), jnp.float32),
    )(point_xyz, point_features, w1)


def _cen_body(nx_ref, w_ref, b_ref, o_ref):
    wx = w_ref[0:3, :]
    q = jax.lax.dot_general(wx, nx_ref[...], (((0,), (0,)), ((), ())),
                            precision=HIGH,
                            preferred_element_type=jnp.float32)
    o_ref[...] = b_ref[...] - q


def _cen_call(nx3m, w1, b1col):
    return pl.pallas_call(
        _cen_body,
        in_specs=[
            pl.BlockSpec((3, M), lambda: (0, 0)),
            pl.BlockSpec((6, 32), lambda: (0, 0)),
            pl.BlockSpec((32, 1), lambda: (0, 0)),
        ],
        grid=(),
        out_specs=pl.BlockSpec((32, M), lambda: (0, 0)),
        out_shape=jax.ShapeDtypeStruct((32, M), jnp.float32),
    )(nx3m, w1, b1col)



NW = 32
ROWS_W = NTOT // NW
GCH = 1024


def _sc_gather(table, idx_flat):
    mesh = plsc.VectorSubcoreMesh(core_axis_name="c", subcore_axis_name="s")

    @functools.partial(
        pl.kernel,
        out_type=jax.ShapeDtypeStruct((NTOT, 32), jnp.float32),
        mesh=mesh,
        scratch_types=[
            pltpu.VMEM((GCH,), jnp.int32),
            pltpu.VMEM((GCH, 32), jnp.float32),
            pltpu.SemaphoreType.DMA,
        ],
        compiler_params=pltpu.CompilerParams(use_tc_tiling_on_sc=False),
    )
    def k(table_hbm, idx_hbm, out_hbm, idx_v, rows_v, sem):
        wid = jax.lax.axis_index("s") * 2 + jax.lax.axis_index("c")

        @pl.loop(0, ROWS_W // GCH)
        def _(ci):
            base = wid * ROWS_W + ci * GCH
            pltpu.sync_copy(idx_hbm.at[pl.ds(base, GCH)], idx_v)
            pltpu.async_copy(table_hbm.at[idx_v], rows_v, sem).wait()
            pltpu.sync_copy(rows_v, out_hbm.at[pl.ds(base, GCH)])

    return k(table, idx_flat)



def _bn_cols(st_ref, g_ref, be_ref):
    mean = st_ref[:, 0:1] * np.float32(1.0 / NTOT)
    var = st_ref[:, 1:2] * np.float32(1.0 / NTOT) - mean * mean
    scale = g_ref[...] * jax.lax.rsqrt(var + EPS)
    shift = be_ref[...] - mean * scale
    return scale, shift


def _b1_body(g_ref, q_ref, y_ref, st_ref, acc):
    pid = pl.program_id(0)

    @pl.when(pid == 0)
    def _():
        acc[...] = jnp.zeros_like(acc)

    eye = (jax.lax.broadcasted_iota(jnp.int32, (32, 32), 0)
           == jax.lax.broadcasted_iota(jnp.int32, (32, 32), 1)
           ).astype(jnp.float32)
    gt = jax.lax.dot_general(eye, g_ref[0], (((1,), (1,)), ((), ())),
                             precision=HIGH,
                             preferred_element_type=jnp.float32)
    y = gt + q_ref[...]
    acc[:, 0:1] = acc[:, 0:1] + jnp.sum(y, axis=1, keepdims=True)
    acc[:, 1:2] = acc[:, 1:2] + jnp.sum(y * y, axis=1, keepdims=True)
    y_ref[0] = y

    @pl.when(pid == pl.num_programs(0) - 1)
    def _():
        st_ref[...] = acc[...]


def _b1_call(g3d, q1t):
    return pl.pallas_call(
        _b1_body,
        grid=(K,),
        in_specs=[
            pl.BlockSpec((1, M, 32), lambda k: (k, 0, 0)),
            pl.BlockSpec((32, M), lambda k: (0, 0)),
        ],
        out_specs=[
            pl.BlockSpec((1, 32, M), lambda k: (k, 0, 0)),
            pl.BlockSpec((32, 2), lambda k: (0, 0)),
        ],
        out_shape=[
            jax.ShapeDtypeStruct((K, 32, M), jnp.float32),
            jax.ShapeDtypeStruct((32, 2), jnp.float32),
        ],
        scratch_shapes=[pltpu.VMEM((32, 2), jnp.float32)],
    )(g3d, q1t)


def _mid_body(cin, cout, y_ref, st_ref, g_ref, be_ref, w_ref, b_ref,
              o_ref, so_ref, acc):
    pid = pl.program_id(0)

    @pl.when(pid == 0)
    def _():
        acc[...] = jnp.zeros_like(acc)

    scale, shift = _bn_cols(st_ref, g_ref, be_ref)
    h = jnp.maximum(y_ref[0] * scale + shift, 0.0)
    y2 = jax.lax.dot_general(w_ref[...], h, (((0,), (0,)), ((), ())),
                             precision=HIGH,
                             preferred_element_type=jnp.float32) + b_ref[...]
    acc[:, 0:1] = acc[:, 0:1] + jnp.sum(y2, axis=1, keepdims=True)
    acc[:, 1:2] = acc[:, 1:2] + jnp.sum(y2 * y2, axis=1, keepdims=True)
    o_ref[0] = y2

    @pl.when(pid == pl.num_programs(0) - 1)
    def _():
        so_ref[...] = acc[...]


def _mid_call(y, st, g, be, w, b, cin, cout):
    return pl.pallas_call(
        functools.partial(_mid_body, cin, cout),
        grid=(K,),
        in_specs=[
            pl.BlockSpec((1, cin, M), lambda k: (k, 0, 0)),
            pl.BlockSpec((cin, 2), lambda k: (0, 0)),
            pl.BlockSpec((cin, 1), lambda k: (0, 0)),
            pl.BlockSpec((cin, 1), lambda k: (0, 0)),
            pl.BlockSpec((cin, cout), lambda k: (0, 0)),
            pl.BlockSpec((cout, 1), lambda k: (0, 0)),
        ],
        out_specs=[
            pl.BlockSpec((1, cout, M), lambda k: (k, 0, 0)),
            pl.BlockSpec((cout, 2), lambda k: (0, 0)),
        ],
        out_shape=[
            jax.ShapeDtypeStruct((K, cout, M), jnp.float32),
            jax.ShapeDtypeStruct((cout, 2), jnp.float32),
        ],
        scratch_shapes=[pltpu.VMEM((cout, 2), jnp.float32)],
    )(y, st, g, be, w, b)


CHL = 1024


def _fin_body(y_ref, st_ref, g_ref, be_ref, o_ref):
    scale, shift = _bn_cols(st_ref, g_ref, be_ref)
    h = jnp.maximum(y_ref[...] * scale[None, :, :] + shift[None, :, :], 0.0)
    o_ref[0] = jnp.max(h, axis=0)


def _fin_call(y, st, g, be):
    return pl.pallas_call(
        _fin_body,
        grid=(M // CHL,),
        in_specs=[
            pl.BlockSpec((K, 64, CHL), lambda i: (0, 0, i)),
            pl.BlockSpec((64, 2), lambda i: (0, 0)),
            pl.BlockSpec((64, 1), lambda i: (0, 0)),
            pl.BlockSpec((64, 1), lambda i: (0, 0)),
        ],
        out_specs=pl.BlockSpec((1, 64, CHL), lambda i: (i, 0, 0)),
        out_shape=jax.ShapeDtypeStruct((B, 64, S), jnp.float32),
    )(y, st, g, be)



def kernel(point_xyz, point_features, W1, b1, g1, be1,
           W2, b2, g2, be2, W3, b3, g3, be3):
    new_xyz = _fps_call(point_xyz)
    nxt = new_xyz.transpose(0, 2, 1)
    idx_t = _ballq_call(point_xyz, nxt)
    idx_flat = idx_t.reshape(NTOT)

    p1 = _pts_call(point_xyz, point_features, W1)
    nx3m = new_xyz.transpose(1, 0, 2).reshape(3, M)
    q1t = _cen_call(nx3m, W1, b1.reshape(32, 1))

    g = _sc_gather(p1, idx_flat).reshape(K, M, 32)

    y1, st1 = _b1_call(g, q1t)
    y2, st2 = _mid_call(y1, st1, g1.reshape(32, 1), be1.reshape(32, 1),
                        W2, b2.reshape(32, 1), 32, 32)
    y3, st3 = _mid_call(y2, st2, g2.reshape(32, 1), be2.reshape(32, 1),
                        W3, b3.reshape(64, 1), 32, 64)
    feat_out = _fin_call(y3, st3, g3.reshape(64, 1), be3.reshape(64, 1))
    return new_xyz, feat_out

# --- scband reference (transcript-rebuilt; emitter-appended) ---
"""Pipeline reference for scband-set-abstraction-12601434047023 (READ-ONLY COPY).

The authoritative reference and input builder live on the scoring server;
editing this copy changes nothing except your own understanding.
"""

import jax, jax.numpy as jnp
import numpy as np

B, N, NPOINT, NSAMPLE = 8, 4096, 1024, 32
RADIUS = 0.2
MLP = [32, 32, 64]
IN_CH = 6
EPS = 1e-5


def square_distance(src, dst):
    return (jnp.sum(src ** 2, -1)[:, :, None]
            + jnp.sum(dst ** 2, -1)[:, None, :]
            - 2.0 * jnp.matmul(src, dst.transpose(0, 2, 1)))


def index_points(points, idx):
    if idx.ndim == 3:
        Bb, S, K = idx.shape
        flat = idx.reshape(Bb, S * K)
        g = jnp.take_along_axis(points, jnp.broadcast_to(flat[..., None], (Bb, S * K, points.shape[-1])), axis=1)
        return g.reshape(Bb, S, K, points.shape[-1])
    g = jnp.take_along_axis(points, jnp.broadcast_to(idx[..., None], idx.shape + (points.shape[-1],)), axis=1)
    return g


def farthest_point_sample(xyz, npoint):
    Bb, Nn, _ = xyz.shape
    def step(carry, _):
        distance, farthest = carry
        centroid = jnp.take_along_axis(xyz, jnp.broadcast_to(farthest[:, None, None], (Bb, 1, 3)), axis=1)
        dist = jnp.sum((xyz - centroid) ** 2, -1)
        distance = jnp.minimum(distance, dist)
        nxt = jnp.argmax(distance, -1).astype(jnp.int32)
        return (distance, nxt), farthest
    init = (jnp.full((Bb, Nn), 1e10, dtype=xyz.dtype), jnp.zeros((Bb,), dtype=jnp.int32))
    _, cent = jax.lax.scan(step, init, None, length=npoint)
    return cent.T


def query_ball_point(radius, nsample, xyz, new_xyz):
    Bb, Nn, _ = xyz.shape
    S = new_xyz.shape[1]
    sqrdists = square_distance(new_xyz, xyz)
    gidx = jnp.broadcast_to(jnp.arange(Nn, dtype=jnp.int32), (Bb, S, Nn))
    gidx = jnp.where(sqrdists > radius ** 2, Nn, gidx)
    gidx = jnp.sort(gidx, axis=-1)[:, :, :nsample]
    first = jnp.broadcast_to(gidx[:, :, 0:1], (Bb, S, nsample))
    gidx = jnp.where(gidx == Nn, first, gidx)
    return gidx


def setup_inputs(seed: int = 0):
    key = jax.random.key(seed)
    ks = jax.random.split(key, 3)
    inp = {
        'point_xyz': jax.random.uniform(ks[0], (B, 3, N), dtype=jnp.float32),
        'point_features': jax.random.normal(ks[1], (B, 3, N), dtype=jnp.float32),
    }
    chans = [IN_CH] + MLP
    for i in range(3):
        kw = jax.random.fold_in(ks[2], i)
        inp[f'W{i+1}'] = jax.random.normal(kw, (chans[i], chans[i + 1]), dtype=jnp.float32) * (1.0 / np.sqrt(chans[i]))
        inp[f'b{i+1}'] = jnp.zeros((chans[i + 1],), dtype=jnp.float32)
        inp[f'g{i+1}'] = jnp.ones((chans[i + 1],), dtype=jnp.float32)
        inp[f'be{i+1}'] = jnp.zeros((chans[i + 1],), dtype=jnp.float32)
    return inp


def _conv_bn_relu(x, W, b, g, be):
    y = jnp.matmul(x, W) + b
    mean = jnp.mean(y, axis=(0, 1, 2), keepdims=True)
    var = jnp.var(y, axis=(0, 1, 2), keepdims=True)
    y = (y - mean) / jnp.sqrt(var + EPS) * g + be
    return jax.nn.relu(y)


def reference(point_xyz, point_features, W1, b1, g1, be1, W2, b2, g2, be2, W3, b3, g3, be3):
    xyz = point_xyz.transpose(0, 2, 1)
    feats = point_features.transpose(0, 2, 1)
    xyz_ng = jax.lax.stop_gradient(xyz)
    fps_idx = farthest_point_sample(xyz_ng, NPOINT)
    new_xyz = index_points(xyz, fps_idx)
    idx = query_ball_point(RADIUS, NSAMPLE, xyz_ng, jax.lax.stop_gradient(new_xyz))
    grouped_xyz = index_points(xyz, idx)
    grouped_norm = grouped_xyz - new_xyz[:, :, None, :]
    grouped_feats = index_points(feats, idx)
    h = jnp.concatenate([grouped_norm, grouped_feats], axis=-1)
    h = _conv_bn_relu(h, W1, b1, g1, be1)
    h = _conv_bn_relu(h, W2, b2, g2, be2)
    h = _conv_bn_relu(h, W3, b3, g3, be3)
    h = jnp.max(h, axis=2)
    return new_xyz.transpose(0, 2, 1), h.transpose(0, 2, 1)

if __name__ == "__main__":
    import jax
    _d = setup_inputs()
    print(jax.jit(kernel)(*tuple(_d.values())))

</pallas_src>

<mosaic_0001>
#map = affine_map<(d0, d1) -> (0, 0)>
#map1 = affine_map<(d0, d1) -> (0)>
module attributes {stable_mosaic.version = 14 : i64} {
  func.func @k(%arg0: i32, %arg1: i32, %arg2: memref<32768x32xf32, #tpu.memory_space<hbm>>, %arg3: memref<262144xi32, #tpu.memory_space<hbm>>, %arg4: memref<262144x32xf32, #tpu.memory_space<hbm>>, %arg5: memref<1024xi32, #tpu.memory_space<vmem>>, %arg6: memref<1024x32xf32, #tpu.memory_space<vmem>>, %arg7: memref<!tpu.dma_semaphore, #tpu.memory_space<semaphore_mem>>) attributes {dimension_semantics = [#tpu.dimension_semantics<core_parallel>, #tpu.dimension_semantics<subcore_parallel>], iteration_bounds = array<i64: 2, 16>, scalar_prefetch = 0 : i64, scratch_operands = 3 : i64, tpu.core_type = #tpu.core_type<sc_vector_subcore>, window_params = [{transform_indices = #map}, {transform_indices = #map1}, {transform_indices = #map}]} {
    %mul3A = arith.constant 2 : i32
    %mul3A_0 = arith.muli %arg1, %mul3A : i32
    %add3A = arith.addi %mul3A_0, %arg0 : i32
    %scan3A = arith.constant 0 : i32
    %scan3A_1 = arith.constant 8 : i32
    %scan3A_2 = arith.addi %scan3A, %scan3A_1 : i32
    %scan3A_3 = arith.constant 1 : i32
    scf.for %scan3A_5 = %scan3A to %scan3A_2 step %scan3A_3  : i32 {
      %mul3A_6 = arith.constant 1 : i32
      %mul3A_7 = arith.muli %scan3A_5, %mul3A_6 : i32
      %add3A_8 = arith.constant 0 : i32
      %add3A_9 = arith.addi %add3A_8, %mul3A_7 : i32
      %mul3A_10 = arith.constant 8192 : i32
      %mul3A_11 = arith.muli %add3A, %mul3A_10 : i32
      %mul3A_12 = arith.constant 1024 : i32
      %mul3A_13 = arith.muli %add3A_9, %mul3A_12 : i32
      %add3A_14 = arith.addi %mul3A_11, %mul3A_13 : i32
      "tpu.region"() ({
        %run_scoped3A = tpu.sem_alloc : memref<!tpu.dma_semaphore, #tpu.memory_space<semaphore_mem>>
        %dma_start3A_19 = tpu.memref_slice %arg3[%add3A_14] : memref<262144xi32, #tpu.memory_space<hbm>> -> memref<1024xi32, #tpu.memory_space<hbm>>
        %dma_start3A_20 = tpu.memref_slice %arg3[%add3A_14] : memref<262144xi32, #tpu.memory_space<hbm>> -> memref<1024xi32, #tpu.memory_space<hbm>>
        tpu.enqueue_dma source(%dma_start3A_20 : memref<1024xi32, #tpu.memory_space<hbm>>) target(%arg5 : memref<1024xi32, #tpu.memory_space<vmem>>) target_semaphore(%run_scoped3A : memref<!tpu.dma_semaphore, #tpu.memory_space<semaphore_mem>>)
        %dma_wait3A_21 = tpu.memref_slice %arg3[%add3A_14] : memref<262144xi32, #tpu.memory_space<hbm>> -> memref<1024xi32, #tpu.memory_space<hbm>>
        %dma_wait3A_22 = tpu.memref_slice %arg3[%add3A_14] : memref<262144xi32, #tpu.memory_space<hbm>> -> memref<1024xi32, #tpu.memory_space<hbm>>
        tpu.wait_dma2 semaphore(%run_scoped3A : memref<!tpu.dma_semaphore, #tpu.memory_space<semaphore_mem>>) src(%dma_wait3A_22 : memref<1024xi32, #tpu.memory_space<hbm>>) dst(%arg5 : memref<1024xi32, #tpu.memory_space<vmem>>)
        tpu.yield
      }) : () -> ()
      %dma_start3A = arith.constant 0 : i32
      %dma_start3A_15 = arith.constant 0 : i32
      %dma_start3A_16 = tpu.memref_slice %arg2[%dma_start3A, %dma_start3A_15] : memref<32768x32xf32, #tpu.memory_space<hbm>> -> memref<32768x32xf32, #tpu.memory_space<hbm>>
      tpu.enqueue_indirect_dma source(%dma_start3A_16 : memref<32768x32xf32, #tpu.memory_space<hbm>>) target(%arg6 : memref<1024x32xf32, #tpu.memory_space<vmem>>) offsets(%arg5 : memref<1024xi32, #tpu.memory_space<vmem>>) semaphore(%arg7 : memref<!tpu.dma_semaphore, #tpu.memory_space<semaphore_mem>>)
      %dma_wait3A = arith.constant 0 : i32
      %dma_wait3A_17 = arith.constant 0 : i32
      %dma_wait3A_18 = tpu.memref_slice %arg2[%dma_wait3A, %dma_wait3A_17] : memref<32768x32xf32, #tpu.memory_space<hbm>> -> memref<32768x32xf32, #tpu.memory_space<hbm>>
      tpu.wait_indirect_dma semaphore(%arg7 : memref<!tpu.dma_semaphore, #tpu.memory_space<semaphore_mem>>) src(%dma_wait3A_18 : memref<32768x32xf32, #tpu.memory_space<hbm>>) dst(%arg6 : memref<1024x32xf32, #tpu.memory_space<vmem>>)
      "tpu.region"() ({
        %run_scoped3A = tpu.sem_alloc : memref<!tpu.dma_semaphore, #tpu.memory_space<semaphore_mem>>
        %dma_start3A_19 = arith.constant 0 : i32
        %dma_start3A_20 = tpu.memref_slice %arg4[%add3A_14, %dma_start3A_19] : memref<262144x32xf32, #tpu.memory_space<hbm>> -> memref<1024x32xf32, #tpu.memory_space<hbm>>
        %dma_start3A_21 = arith.constant 0 : i32
        %dma_start3A_22 = tpu.memref_slice %arg4[%add3A_14, %dma_start3A_21] : memref<262144x32xf32, #tpu.memory_space<hbm>> -> memref<1024x32xf32, #tpu.memory_space<hbm>>
        tpu.enqueue_dma source(%arg6 : memref<1024x32xf32, #tpu.memory_space<vmem>>) target(%dma_start3A_22 : memref<1024x32xf32, #tpu.memory_space<hbm>>) target_semaphore(%run_scoped3A : memref<!tpu.dma_semaphore, #tpu.memory_space<semaphore_mem>>)
        %dma_wait3A_23 = arith.constant 0 : i32
        %dma_wait3A_24 = tpu.memref_slice %arg4[%add3A_14, %dma_wait3A_23] : memref<262144x32xf32, #tpu.memory_space<hbm>> -> memref<1024x32xf32, #tpu.memory_space<hbm>>
        %dma_wait3A_25 = arith.constant 0 : i32
        %dma_wait3A_26 = tpu.memref_slice %arg4[%add3A_14, %dma_wait3A_25] : memref<262144x32xf32, #tpu.memory_space<hbm>> -> memref<1024x32xf32, #tpu.memory_space<hbm>>
        tpu.wait_dma2 semaphore(%run_scoped3A : memref<!tpu.dma_semaphore, #tpu.memory_space<semaphore_mem>>) src(%arg6 : memref<1024x32xf32, #tpu.memory_space<vmem>>) dst(%dma_wait3A_26 : memref<1024x32xf32, #tpu.memory_space<hbm>>)
        tpu.yield
      }) : () -> ()
    }
    %scan3A_4 = arith.constant 8 : i32
    return
  }
}

module attributes {stable_mosaic.version = 14 : i64} {
  func.func @_fps_body(%arg0: memref<8x3x4096xf32, #tpu.memory_space<vmem>>, %arg1: memref<8x3x1024xf32, #tpu.memory_space<vmem>>) attributes {dimension_semantics = [], scalar_prefetch = 0 : i64, scratch_operands = 0 : i64, tpu.core_type = #tpu.core_type<tc>} {
    %get3A = arith.constant 0 : index
    %get3A_0 = arith.constant 0 : index
    %get3A_1 = arith.constant 0 : index
    %get3A_2 = vector.load %arg0[%get3A, %get3A_0, %get3A_1] : memref<8x3x4096xf32, #tpu.memory_space<vmem>>, vector<8x1x4096xf32>
    %get3A_3 = vector.shape_cast %get3A_2 : vector<8x1x4096xf32> to vector<8x4096xf32>
    %get3A_4 = arith.constant 0 : index
    %get3A_5 = arith.constant 1 : index
    %get3A_6 = arith.constant 0 : index
    %get3A_7 = vector.load %arg0[%get3A_4, %get3A_5, %get3A_6] : memref<8x3x4096xf32, #tpu.memory_space<vmem>>, vector<8x1x4096xf32>
    %get3A_8 = vector.shape_cast %get3A_7 : vector<8x1x4096xf32> to vector<8x4096xf32>
    %get3A_9 = arith.constant 0 : index
    %get3A_10 = arith.constant 2 : index
    %get3A_11 = arith.constant 0 : index
    %get3A_12 = vector.load %arg0[%get3A_9, %get3A_10, %get3A_11] : memref<8x3x4096xf32, #tpu.memory_space<vmem>>, vector<8x1x4096xf32>
    %get3A_13 = vector.shape_cast %get3A_12 : vector<8x1x4096xf32> to vector<8x4096xf32>
    %iota3A = tpu.iota {dimensions = array<i32: 1>} : vector<8x4096xi32>
    %iota3A_14 = tpu.iota {dimensions = array<i32: 1>} : vector<8x1024xi32>
    %broadcast_in_dim3A = arith.constant 1.000000e+10 : f32
    %broadcast_in_dim3A_15 = vector.broadcast %broadcast_in_dim3A : f32 to vector<8x4096xf32>
    %broadcast_in_dim3A_16 = arith.constant 0 : i32
    %broadcast_in_dim3A_17 = vector.broadcast %broadcast_in_dim3A_16 : i32 to vector<8x1xi32>
    %broadcast_in_dim3A_18 = arith.constant 0.000000e+00 : f32
    %broadcast_in_dim3A_19 = vector.broadcast %broadcast_in_dim3A_18 : f32 to vector<8x1024xf32>
    %scan3A = arith.constant 0 : i32
    %scan3A_20 = arith.constant 1024 : i32
    %scan3A_21 = arith.addi %scan3A, %scan3A_20 : i32
    %scan3A_22 = arith.constant 1 : i32
    %scan3A_23:5 = scf.for %scan3A_42 = %scan3A to %scan3A_21 step %scan3A_22 iter_args(%scan3A_43 = %broadcast_in_dim3A_15, %scan3A_44 = %broadcast_in_dim3A_17, %scan3A_45 = %broadcast_in_dim3A_19, %scan3A_46 = %broadcast_in_dim3A_19, %scan3A_47 = %broadcast_in_dim3A_19) -> (vector<8x4096xf32>, vector<8x1xi32>, vector<8x1024xf32>, vector<8x1024xf32>, vector<8x1024xf32>)  : i32 {
      %eq3A = vector.broadcast %scan3A_44 : vector<8x1xi32> to vector<8x4096xi32>
      %eq3A_48 = arith.cmpi eq, %iota3A, %eq3A : vector<8x4096xi32>
      %convert_element_type3A = arith.extui %eq3A_48 : vector<8x4096xi1> to vector<8x4096xi32>
      %convert_element_type3A_49 = arith.sitofp %convert_element_type3A : vector<8x4096xi32> to vector<8x4096xf32>
      %mul3A = arith.mulf %get3A_3, %convert_element_type3A_49 : vector<8x4096xf32>
      %reduce_sum3A = arith.constant dense<0.000000e+00> : vector<8xf32>
      %reduce_sum3A_50 = vector.multi_reduction <add>, %mul3A, %reduce_sum3A [1] : vector<8x4096xf32> to vector<8xf32>
      %broadcast_in_dim3A_51 = vector.shape_cast %reduce_sum3A_50 : vector<8xf32> to vector<8x1xf32>
      %mul3A_52 = arith.mulf %get3A_8, %convert_element_type3A_49 : vector<8x4096xf32>
      %reduce_sum3A_53 = arith.constant dense<0.000000e+00> : vector<8xf32>
      %reduce_sum3A_54 = vector.multi_reduction <add>, %mul3A_52, %reduce_sum3A_53 [1] : vector<8x4096xf32> to vector<8xf32>
      %broadcast_in_dim3A_55 = vector.shape_cast %reduce_sum3A_54 : vector<8xf32> to vector<8x1xf32>
      %mul3A_56 = arith.mulf %get3A_13, %convert_element_type3A_49 : vector<8x4096xf32>
      %reduce_sum3A_57 = arith.constant dense<0.000000e+00> : vector<8xf32>
      %reduce_sum3A_58 = vector.multi_reduction <add>, %mul3A_56, %reduce_sum3A_57 [1] : vector<8x4096xf32> to vector<8xf32>
      %broadcast_in_dim3A_59 = vector.shape_cast %reduce_sum3A_58 : vector<8xf32> to vector<8x1xf32>
      %eq3A_60 = vector.broadcast %scan3A_42 : i32 to vector<8x1024xi32>
      %eq3A_61 = arith.cmpi eq, %iota3A_14, %eq3A_60 : vector<8x1024xi32>
      %convert_element_type3A_62 = arith.extui %eq3A_61 : vector<8x1024xi1> to vector<8x1024xi32>
      %convert_element_type3A_63 = arith.sitofp %convert_element_type3A_62 : vector<8x1024xi32> to vector<8x1024xf32>
      %mul3A_64 = vector.broadcast %broadcast_in_dim3A_51 : vector<8x1xf32> to vector<8x1024xf32>
      %mul3A_65 = arith.mulf %mul3A_64, %convert_element_type3A_63 : vector<8x1024xf32>
      %add3A = arith.addf %scan3A_45, %mul3A_65 : vector<8x1024xf32>
      %mul3A_66 = vector.broadcast %broadcast_in_dim3A_55 : vector<8x1xf32> to vector<8x1024xf32>
      %mul3A_67 = arith.mulf %mul3A_66, %convert_element_type3A_63 : vector<8x1024xf32>
      %add3A_68 = arith.addf %scan3A_46, %mul3A_67 : vector<8x1024xf32>
      %mul3A_69 = vector.broadcast %broadcast_in_dim3A_59 : vector<8x1xf32> to vector<8x1024xf32>
      %mul3A_70 = arith.mulf %mul3A_69, %convert_element_type3A_63 : vector<8x1024xf32>
      %add3A_71 = arith.addf %scan3A_47, %mul3A_70 : vector<8x1024xf32>
      %sub3A = vector.broadcast %broadcast_in_dim3A_51 : vector<8x1xf32> to vector<8x4096xf32>
      %sub3A_72 = arith.subf %get3A_3, %sub3A : vector<8x4096xf32>
      %sub3A_73 = vector.broadcast %broadcast_in_dim3A_55 : vector<8x1xf32> to vector<8x4096xf32>
      %sub3A_74 = arith.subf %get3A_8, %sub3A_73 : vector<8x4096xf32>
      %sub3A_75 = vector.broadcast %broadcast_in_dim3A_59 : vector<8x1xf32> to vector<8x4096xf32>
      %sub3A_76 = arith.subf %get3A_13, %sub3A_75 : vector<8x4096xf32>
      %mul3A_77 = arith.mulf %sub3A_72, %sub3A_72 : vector<8x4096xf32>
      %mul3A_78 = arith.mulf %sub3A_74, %sub3A_74 : vector<8x4096xf32>
      %add3A_79 = arith.addf %mul3A_77, %mul3A_78 : vector<8x4096xf32>
      %mul3A_80 = arith.mulf %sub3A_76, %sub3A_76 : vector<8x4096xf32>
      %add3A_81 = arith.addf %add3A_79, %mul3A_80 : vector<8x4096xf32>
      %min3A = arith.minimumf %scan3A_43, %add3A_81 : vector<8x4096xf32>
      %reduce_max3A = arith.constant dense<0xFF800000> : vector<8xf32>
      %reduce_max3A_82 = vector.multi_reduction <maximumf>, %min3A, %reduce_max3A [1] : vector<8x4096xf32> to vector<8xf32>
      %broadcast_in_dim3A_83 = vector.shape_cast %reduce_max3A_82 : vector<8xf32> to vector<8x1xf32>
      %eq3A_84 = vector.broadcast %broadcast_in_dim3A_83 : vector<8x1xf32> to vector<8x4096xf32>
      %eq3A_85 = arith.cmpf oeq, %min3A, %eq3A_84 : vector<8x4096xf32>
      %jit3A = arith.constant 4096 : i32
      %broadcast_in_dim3A_86 = vector.broadcast %jit3A : i32 to vector<8x4096xi32>
      %select_n3A = arith.select %eq3A_85, %iota3A, %broadcast_in_dim3A_86 : vector<8x4096xi1>, vector<8x4096xi32>
      %reduce_min3A = arith.constant dense<2147483647> : vector<8xi32>
      %reduce_min3A_87 = vector.multi_reduction <minsi>, %select_n3A, %reduce_min3A [1] : vector<8x4096xi32> to vector<8xi32>
      %broadcast_in_dim3A_88 = vector.shape_cast %reduce_min3A_87 : vector<8xi32> to vector<8x1xi32>
      scf.yield %min3A, %broadcast_in_dim3A_88, %add3A, %add3A_68, %add3A_71 : vector<8x4096xf32>, vector<8x1xi32>, vector<8x1024xf32>, vector<8x1024xf32>, vector<8x1024xf32>
    }
    %scan3A_24 = arith.constant 1024 : i32
    %swap3A = arith.constant 0 : index
    %swap3A_25 = arith.constant 0 : index
    %swap3A_26 = arith.constant 0 : index
    %swap3A_27 = vector.load %arg1[%swap3A, %swap3A_25, %swap3A_26] : memref<8x3x1024xf32, #tpu.memory_space<vmem>>, vector<8x1x1024xf32>
    %swap3A_28 = vector.shape_cast %swap3A_27 : vector<8x1x1024xf32> to vector<8x1024xf32>
    %swap3A_29 = vector.shape_cast %scan3A_23#2 : vector<8x1024xf32> to vector<8x1x1024xf32>
    tpu.vector_store %arg1[%swap3A, %swap3A_25, %swap3A_26], %swap3A_29 {strides = array<i32>} : memref<8x3x1024xf32, #tpu.memory_space<vmem>>, vector<8x1x1024xf32>,
    %swap3A_30 = arith.constant 0 : index
    %swap3A_31 = arith.constant 1 : index
    %swap3A_32 = arith.constant 0 : index
    %swap3A_33 = vector.load %arg1[%swap3A_30, %swap3A_31, %swap3A_32] : memref<8x3x1024xf32, #tpu.memory_space<vmem>>, vector<8x1x1024xf32>
    %swap3A_34 = vector.shape_cast %swap3A_33 : vector<8x1x1024xf32> to vector<8x1024xf32>
    %swap3A_35 = vector.shape_cast %scan3A_23#3 : vector<8x1024xf32> to vector<8x1x1024xf32>
    tpu.vector_store %arg1[%swap3A_30, %swap3A_31, %swap3A_32], %swap3A_35 {strides = array<i32>} : memref<8x3x1024xf32, #tpu.memory_space<vmem>>, vector<8x1x1024xf32>,
    %swap3A_36 = arith.constant 0 : index
    %swap3A_37 = arith.constant 2 : index
    %swap3A_38 = arith.constant 0 : index
    %swap3A_39 = vector.load %arg1[%swap3A_36, %swap3A_37, %swap3A_38] : memref<8x3x1024xf32, #tpu.memory_space<vmem>>, vector<8x1x1024xf32>
    %swap3A_40 = vector.shape_cast %swap3A_39 : vector<8x1x1024xf32> to vector<8x1024xf32>
    %swap3A_41 = vector.shape_cast %scan3A_23#4 : vector<8x1024xf32> to vector<8x1x1024xf32>
    tpu.vector_store %arg1[%swap3A_36, %swap3A_37, %swap3A_38], %swap3A_41 {strides = array<i32>} : memref<8x3x1024xf32, #tpu.memory_space<vmem>>, vector<8x1x1024xf32>,
    return
  }
}

module attributes {stable_mosaic.version = 14 : i64} {
  func.func @_pts_body(%arg0: i32, %arg1: memref<1x3x4096xf32, #tpu.memory_space<vmem>>, %arg2: memref<1x3x4096xf32, #tpu.memory_space<vmem>>, %arg3: memref<6x32xf32, #tpu.memory_space<vmem>>, %arg4: memref<4096x32xf32, #tpu.memory_space<vmem>>) attributes {dimension_semantics = [#tpu.dimension_semantics<arbitrary>], iteration_bounds = array<i64: 8>, scalar_prefetch = 0 : i64, scratch_operands = 0 : i64, tpu.core_type = #tpu.core_type<tc>, window_params = [{transform_indices = @transform_0, window_bounds = array<i64: 1, 3, 4096>}, {transform_indices = @transform_1, window_bounds = array<i64: 1, 3, 4096>}, {pipeline_mode = #tpu.pipeline_mode<synchronous>, transform_indices = @transform_2, window_bounds = array<i64: 6, 32>}, {transform_indices = @transform_3, window_bounds = array<i64: 4096, 32>}]} {
    %get3A = arith.constant 0 : index
    %get3A_0 = arith.constant 0 : index
    %get3A_1 = arith.constant 0 : index
    %get3A_2 = vector.load %arg1[%get3A, %get3A_0, %get3A_1] : memref<1x3x4096xf32, #tpu.memory_space<vmem>>, vector<1x3x4096xf32>
    %get3A_3 = vector.shape_cast %get3A_2 : vector<1x3x4096xf32> to vector<3x4096xf32>
    %get3A_4 = arith.constant 0 : index
    %get3A_5 = arith.constant 0 : index
    %get3A_6 = arith.constant 0 : index
    %get3A_7 = vector.load %arg2[%get3A_4, %get3A_5, %get3A_6] : memref<1x3x4096xf32, #tpu.memory_space<vmem>>, vector<1x3x4096xf32>
    %get3A_8 = vector.shape_cast %get3A_7 : vector<1x3x4096xf32> to vector<3x4096xf32>
    %get3A_9 = arith.constant 0 : index
    %get3A_10 = arith.constant 0 : index
    %get3A_11 = vector.load %arg3[%get3A_9, %get3A_10] : memref<6x32xf32, #tpu.memory_space<vmem>>, vector<3x32xf32>
    %dot_general3A = arith.constant dense<0.000000e+00> : vector<4096x32xf32>
    %dot_general3A_12 = tpu.matmul %get3A_3, %get3A_11, %dot_general3A {dimension_numbers = #tpu.dot_dimension_numbers<[0], [0], [1], [1], [0, 1, 1, 1], [], []>, precision = #tpu.contract_precision<fp32>, transpose_lhs_hint = false} : vector<3x4096xf32>, vector<3x32xf32>, vector<4096x32xf32> -> vector<4096x32xf32>
    %get3A_13 = arith.constant 3 : index
    %get3A_14 = arith.constant 0 : index
    %get3A_15 = vector.load %arg3[%get3A_13, %get3A_14] : memref<6x32xf32, #tpu.memory_space<vmem>>, vector<3x32xf32>
    %dot_general3A_16 = arith.constant dense<0.000000e+00> : vector<4096x32xf32>
    %dot_general3A_17 = tpu.matmul %get3A_8, %get3A_15, %dot_general3A_16 {dimension_numbers = #tpu.dot_dimension_numbers<[0], [0], [1], [1], [0, 1, 1, 1], [], []>, precision = #tpu.contract_precision<fp32>, transpose_lhs_hint = false} : vector<3x4096xf32>, vector<3x32xf32>, vector<4096x32xf32> -> vector<4096x32xf32>
    %add3A = arith.addf %dot_general3A_12, %dot_general3A_17 : vector<4096x32xf32>
    %swap3A = arith.constant 0 : index
    %swap3A_18 = arith.constant 0 : index
    %swap3A_19 = vector.load %arg4[%swap3A, %swap3A_18] : memref<4096x32xf32, #tpu.memory_space<vmem>>, vector<4096x32xf32>
    tpu.vector_store %arg4[%swap3A, %swap3A_18], %add3A {strides = array<i32>} : memref<4096x32xf32, #tpu.memory_space<vmem>>, vector<4096x32xf32>,
    return
  }
  func.func @transform_0(%arg0: i32) -> (i32, i32, i32) {
    %c0_i32 = arith.constant 0 : i32
    %c0_i32_0 = arith.constant 0 : i32
    %c0_i32_1 = arith.constant 0 : i32
    return %arg0, %c0_i32, %c0_i32_0 : i32, i32, i32
  }
  func.func @transform_1(%arg0: i32) -> (i32, i32, i32) {
    %c0_i32 = arith.constant 0 : i32
    %c0_i32_0 = arith.constant 0 : i32
    %c0_i32_1 = arith.constant 0 : i32
    return %arg0, %c0_i32, %c0_i32_0 : i32, i32, i32
  }
  func.func @transform_2(%arg0: i32) -> (i32, i32) {
    %c0_i32 = arith.constant 0 : i32
    %c0_i32_0 = arith.constant 0 : i32
    %c0_i32_1 = arith.constant 0 : i32
    return %c0_i32, %c0_i32_0 : i32, i32
  }
  func.func @transform_3(%arg0: i32) -> (i32, i32) {
    %c0_i32 = arith.constant 0 : i32
    %c0_i32_0 = arith.constant 0 : i32
    return %arg0, %c0_i32 : i32, i32
  }
}

module attributes {stable_mosaic.version = 14 : i64} {
  func.func @_ballq_body(%arg0: i32, %arg1: i32, %arg2: memref<1x3x4096xf32, #tpu.memory_space<vmem>>, %arg3: memref<1x256x3xf32, #tpu.memory_space<vmem>>, %arg4: memref<32x8x1024xi32, #tpu.memory_space<vmem>>) attributes {dimension_semantics = [#tpu.dimension_semantics<arbitrary>, #tpu.dimension_semantics<arbitrary>], iteration_bounds = array<i64: 8, 4>, scalar_prefetch = 0 : i64, scratch_operands = 0 : i64, tpu.core_type = #tpu.core_type<tc>, window_params = [{transform_indices = @transform_0, window_bounds = array<i64: 1, 3, 4096>}, {transform_indices = @transform_1, window_bounds = array<i64: 1, 256, 3>}, {pipeline_mode = #tpu.pipeline_mode<synchronous>, transform_indices = @transform_2, window_bounds = array<i64: 32, 8, 1024>}]} {
    %get3A = arith.constant 0 : index
    %get3A_0 = arith.constant 0 : index
    %get3A_1 = arith.constant 0 : index
    %get3A_2 = vector.load %arg2[%get3A, %get3A_0, %get3A_1] : memref<1x3x4096xf32, #tpu.memory_space<vmem>>, vector<1x3x4096xf32>
    %get3A_3 = vector.shape_cast %get3A_2 : vector<1x3x4096xf32> to vector<3x4096xf32>
    %get3A_4 = arith.constant 0 : index
    %get3A_5 = arith.constant 0 : index
    %get3A_6 = arith.constant 0 : index
    %get3A_7 = vector.load %arg3[%get3A_4, %get3A_5, %get3A_6] : memref<1x256x3xf32, #tpu.memory_space<vmem>>, vector<1x256x3xf32>
    %get3A_8 = vector.shape_cast %get3A_7 : vector<1x256x3xf32> to vector<256x3xf32>
    %mul3A = arith.mulf %get3A_8, %get3A_8 : vector<256x3xf32>
    %reduce_sum3A = arith.constant dense<0.000000e+00> : vector<256xf32>
    %reduce_sum3A_9 = vector.multi_reduction <add>, %mul3A, %reduce_sum3A [1] : vector<256x3xf32> to vector<256xf32>
    %broadcast_in_dim3A = vector.shape_cast %reduce_sum3A_9 : vector<256xf32> to vector<256x1xf32>
    %mul3A_10 = arith.mulf %get3A_3, %get3A_3 : vector<3x4096xf32>
    %reduce_sum3A_11 = arith.constant dense<0.000000e+00> : vector<4096xf32>
    %reduce_sum3A_12 = vector.multi_reduction <add>, %mul3A_10, %reduce_sum3A_11 [0] : vector<3x4096xf32> to vector<4096xf32>
    %broadcast_in_dim3A_13 = vector.shape_cast %reduce_sum3A_12 : vector<4096xf32> to vector<1x4096xf32>
    %dot_general3A = arith.constant dense<0.000000e+00> : vector<256x4096xf32>
    %dot_general3A_14 = tpu.matmul %get3A_8, %get3A_3, %dot_general3A {dimension_numbers = #tpu.dot_dimension_numbers<[1], [0], [0], [1], [0, 0, 1, 1], [], []>, transpose_lhs_hint = false} : vector<256x3xf32>, vector<3x4096xf32>, vector<256x4096xf32> -> vector<256x4096xf32>
    %add3A = vector.broadcast %broadcast_in_dim3A : vector<256x1xf32> to vector<256x4096xf32>
    %add3A_15 = vector.broadcast %broadcast_in_dim3A_13 : vector<1x4096xf32> to vector<256x4096xf32>
    %add3A_16 = arith.addf %add3A, %add3A_15 : vector<256x4096xf32>
    %mul3A_17 = arith.constant 2.000000e+00 : f32
    %mul3A_18 = vector.broadcast %mul3A_17 : f32 to vector<256x4096xf32>
    %mul3A_19 = arith.mulf %mul3A_18, %dot_general3A_14 : vector<256x4096xf32>
    %sub3A = arith.subf %add3A_16, %mul3A_19 : vector<256x4096xf32>
    %le3A = arith.constant 4.000000e-02 : f32
    %le3A_20 = vector.broadcast %le3A : f32 to vector<256x4096xf32>
    %le3A_21 = arith.cmpf ole, %sub3A, %le3A_20 : vector<256x4096xf32>
    %convert_element_type3A = arith.extui %le3A_21 : vector<256x4096xi1> to vector<256x4096xi32>
    %convert_element_type3A_22 = arith.sitofp %convert_element_type3A : vector<256x4096xi32> to vector<256x4096xf32>
    %convert_element_type3A_23 = arith.truncf %convert_element_type3A_22 : vector<256x4096xf32> to vector<256x4096xbf16>
    %iota3A = tpu.iota {dimensions = array<i32: 0>} : vector<128x128xi32>
    %iota3A_24 = tpu.iota {dimensions = array<i32: 1>} : vector<128x128xi32>
    %le3A_25 = arith.cmpi sle, %iota3A, %iota3A_24 : vector<128x128xi32>
    %convert_element_type3A_26 = arith.extui %le3A_25 : vector<128x128xi1> to vector<128x128xi32>
    %convert_element_type3A_27 = arith.sitofp %convert_element_type3A_26 : vector<128x128xi32> to vector<128x128xf32>
    %convert_element_type3A_28 = arith.truncf %convert_element_type3A_27 : vector<128x128xf32> to vector<128x128xbf16>
    %slice3A = vector.extract_strided_slice %convert_element_type3A_23 {offsets = [0, 0], sizes = [256, 128], strides = [1, 1]} : vector<256x4096xbf16> to vector<256x128xbf16>
    %dot_general3A_29 = arith.constant dense<0.000000e+00> : vector<256x128xf32>
    %dot_general3A_30 = tpu.matmul %slice3A, %convert_element_type3A_28, %dot_general3A_29 {dimension_numbers = #tpu.dot_dimension_numbers<[1], [0], [0], [1], [0, 0, 1, 1], [], []>, transpose_lhs_hint = false} : vector<256x128xbf16>, vector<128x128xbf16>, vector<256x128xf32> -> vector<256x128xf32>
    %slice3A_31 = vector.extract_strided_slice %convert_element_type3A_23 {offsets = [0, 128], sizes = [256, 128], strides = [1, 1]} : vector<256x4096xbf16> to vector<256x128xbf16>
    %dot_general3A_32 = arith.constant dense<0.000000e+00> : vector<256x128xf32>
    %dot_general3A_33 = tpu.matmul %slice3A_31, %convert_element_type3A_28, %dot_general3A_32 {dimension_numbers = #tpu.dot_dimension_numbers<[1], [0], [0], [1], [0, 0, 1, 1], [], []>, transpose_lhs_hint = false} : vector<256x128xbf16>, vector<128x128xbf16>, vector<256x128xf32> -> vector<256x128xf32>
    %slice3A_34 = vector.extract_strided_slice %convert_element_type3A_23 {offsets = [0, 256], sizes = [256, 128], strides = [1, 1]} : vector<256x4096xbf16> to vector<256x128xbf16>
    %dot_general3A_35 = arith.constant dense<0.000000e+00> : vector<256x128xf32>
    %dot_general3A_36 = tpu.matmul %slice3A_34, %convert_element_type3A_28, %dot_general3A_35 {dimension_numbers = #tpu.dot_dimension_numbers<[1], [0], [0], [1], [0, 0, 1, 1], [], []>, transpose_lhs_hint = false} : vector<256x128xbf16>, vector<128x128xbf16>, vector<256x128xf32> -> vector<256x128xf32>
    %slice3A_37 = vector.extract_strided_slice %convert_element_type3A_23 {offsets = [0, 384], sizes = [256, 128], strides = [1, 1]} : vector<256x4096xbf16> to vector<256x128xbf16>
    %dot_general3A_38 = arith.constant dense<0.000000e+00> : vector<256x128xf32>
    %dot_general3A_39 = tpu.matmul %slice3A_37, %convert_element_type3A_28, %dot_general3A_38 {dimension_numbers = #tpu.dot_dimension_numbers<[1], [0], [0], [1], [0, 0, 1, 1], [], []>, transpose_lhs_hint = false} : vector<256x128xbf16>, vector<128x128xbf16>, vector<256x128xf32> -> vector<256x128xf32>
    %slice3A_40 = vector.extract_strided_slice %convert_element_type3A_23 {offsets = [0, 512], sizes = [256, 128], strides = [1, 1]} : vector<256x4096xbf16> to vector<256x128xbf16>
    %dot_general3A_41 = arith.constant dense<0.000000e+00> : vector<256x128xf32>
    %dot_general3A_42 = tpu.matmul %slice3A_40, %convert_element_type3A_28, %dot_general3A_41 {dimension_numbers = #tpu.dot_dimension_numbers<[1], [0], [0], [1], [0, 0, 1, 1], [], []>, transpose_lhs_hint = false} : vector<256x128xbf16>, vector<128x128xbf16>, vector<256x128xf32> -> vector<256x128xf32>
    %slice3A_43 = vector.extract_strided_slice %convert_element_type3A_23 {offsets = [0, 640], sizes = [256, 128], strides = [1, 1]} : vector<256x4096xbf16> to vector<256x128xbf16>
    %dot_general3A_44 = arith.constant dense<0.000000e+00> : vector<256x128xf32>
    %dot_general3A_45 = tpu.matmul %slice3A_43, %convert_element_type3A_28, %dot_general3A_44 {dimension_numbers = #tpu.dot_dimension_numbers<[1], [0], [0], [1], [0, 0, 1, 1], [], []>, transpose_lhs_hint = false} : vector<256x128xbf16>, vector<128x128xbf16>, vector<256x128xf32> -> vector<256x128xf32>
    %slice3A_46 = vector.extract_strided_slice %convert_element_type3A_23 {offsets = [0, 768], sizes = [256, 128], strides = [1, 1]} : vector<256x4096xbf16> to vector<256x128xbf16>
    %dot_general3A_47 = arith.constant dense<0.000000e+00> : vector<256x128xf32>
    %dot_general3A_48 = tpu.matmul %slice3A_46, %convert_element_type3A_28, %dot_general3A_47 {dimension_numbers = #tpu.dot_dimension_numbers<[1], [0], [0], [1], [0, 0, 1, 1], [], []>, transpose_lhs_hint = false} : vector<256x128xbf16>, vector<128x128xbf16>, vector<256x128xf32> -> vector<256x128xf32>
    %slice3A_49 = vector.extract_strided_slice %convert_element_type3A_23 {offsets = [0, 896], sizes = [256, 128], strides = [1, 1]} : vector<256x4096xbf16> to vector<256x128xbf16>
    %dot_general3A_50 = arith.constant dense<0.000000e+00> : vector<256x128xf32>
    %dot_general3A_51 = tpu.matmul %slice3A_49, %convert_element_type3A_28, %dot_general3A_50 {dimension_numbers = #tpu.dot_dimension_numbers<[1], [0], [0], [1], [0, 0, 1, 1], [], []>, transpose_lhs_hint = false} : vector<256x128xbf16>, vector<128x128xbf16>, vector<256x128xf32> -> vector<256x128xf32>
    %slice3A_52 = vector.extract_strided_slice %convert_element_type3A_23 {offsets = [0, 1024], sizes = [256, 128], strides = [1, 1]} : vector<256x4096xbf16> to vector<256x128xbf16>
    %dot_general3A_53 = arith.constant dense<0.000000e+00> : vector<256x128xf32>
    %dot_general3A_54 = tpu.matmul %slice3A_52, %convert_element_type3A_28, %dot_general3A_53 {dimension_numbers = #tpu.dot_dimension_numbers<[1], [0], [0], [1], [0, 0, 1, 1], [], []>, transpose_lhs_hint = false} : vector<256x128xbf16>, vector<128x128xbf16>, vector<256x128xf32> -> vector<256x128xf32>
    %slice3A_55 = vector.extract_strided_slice %convert_element_type3A_23 {offsets = [0, 1152], sizes = [256, 128], strides = [1, 1]} : vector<256x4096xbf16> to vector<256x128xbf16>
    %dot_general3A_56 = arith.constant dense<0.000000e+00> : vector<256x128xf32>
    %dot_general3A_57 = tpu.matmul %slice3A_55, %convert_element_type3A_28, %dot_general3A_56 {dimension_numbers = #tpu.dot_dimension_numbers<[1], [0], [0], [1], [0, 0, 1, 1], [], []>, transpose_lhs_hint = false} : vector<256x128xbf16>, vector<128x128xbf16>, vector<256x128xf32> -> vector<256x128xf32>
    %slice3A_58 = vector.extract_strided_slice %convert_element_type3A_23 {offsets = [0, 1280], sizes = [256, 128], strides = [1, 1]} : vector<256x4096xbf16> to vector<256x128xbf16>
    %dot_general3A_59 = arith.constant dense<0.000000e+00> : vector<256x128xf32>
    %dot_general3A_60 = tpu.matmul %slice3A_58, %convert_element_type3A_28, %dot_general3A_59 {dimension_numbers = #tpu.dot_dimension_numbers<[1], [0], [0], [1], [0, 0, 1, 1], [], []>, transpose_lhs_hint = false} : vector<256x128xbf16>, vector<128x128xbf16>, vector<256x128xf32> -> vector<256x128xf32>
    %slice3A_61 = vector.extract_strided_slice %convert_element_type3A_23 {offsets = [0, 1408], sizes = [256, 128], strides = [1, 1]} : vector<256x4096xbf16> to vector<256x128xbf16>
    %dot_general3A_62 = arith.constant dense<0.000000e+00> : vector<256x128xf32>
    %dot_general3A_63 = tpu.matmul %slice3A_61, %convert_element_type3A_28, %dot_general3A_62 {dimension_numbers = #tpu.dot_dimension_numbers<[1], [0], [0], [1], [0, 0, 1, 1], [], []>, transpose_lhs_hint = false} : vector<256x128xbf16>, vector<128x128xbf16>, vector<256x128xf32> -> vector<256x128xf32>
    %slice3A_64 = vector.extract_strided_slice %convert_element_type3A_23 {offsets = [0, 1536], sizes = [256, 128], strides = [1, 1]} : vector<256x4096xbf16> to vector<256x128xbf16>
    %dot_general3A_65 = arith.constant dense<0.000000e+00> : vector<256x128xf32>
    %dot_general3A_66 = tpu.matmul %slice3A_64, %convert_element_type3A_28, %dot_general3A_65 {dimension_numbers = #tpu.dot_dimension_numbers<[1], [0], [0], [1], [0, 0, 1, 1], [], []>, transpose_lhs_hint = false} : vector<256x128xbf16>, vector<128x128xbf16>, vector<256x128xf32> -> vector<256x128xf32>
    %slice3A_67 = vector.extract_strided_slice %convert_element_type3A_23 {offsets = [0, 1664], sizes = [256, 128], strides = [1, 1]} : vector<256x4096xbf16> to vector<256x128xbf16>
    %dot_general3A_68 = arith.constant dense<0.000000e+00> : vector<256x128xf32>
    %dot_general3A_69 = tpu.matmul %slice3A_67, %convert_element_type3A_28, %dot_general3A_68 {dimension_numbers = #tpu.dot_dimension_numbers<[1], [0], [0], [1], [0, 0, 1, 1], [], []>, transpose_lhs_hint = false} : vector<256x128xbf16>, vector<128x128xbf16>, vector<256x128xf32> -> vector<256x128xf32>
    %slice3A_70 = vector.extract_strided_slice %convert_element_type3A_23 {offsets = [0, 1792], sizes = [256, 128], strides = [1, 1]} : vector<256x4096xbf16> to vector<256x128xbf16>
    %dot_general3A_71 = arith.constant dense<0.000000e+00> : vector<256x128xf32>
    %dot_general3A_72 = tpu.matmul %slice3A_70, %convert_element_type3A_28, %dot_general3A_71 {dimension_numbers = #tpu.dot_dimension_numbers<[1], [0], [0], [1], [0, 0, 1, 1], [], []>, transpose_lhs_hint = false} : vector<256x128xbf16>, vector<128x128xbf16>, vector<256x128xf32> -> vector<256x128xf32>
    %slice3A_73 = vector.extract_strided_slice %convert_element_type3A_23 {offsets = [0, 1920], sizes = [256, 128], strides = [1, 1]} : vector<256x4096xbf16> to vector<256x128xbf16>
    %dot_general3A_74 = arith.constant dense<0.000000e+00> : vector<256x128xf32>
    %dot_general3A_75 = tpu.matmul %slice3A_73, %convert_element_type3A_28, %dot_general3A_74 {dimension_numbers = #tpu.dot_dimension_numbers<[1], [0], [0], [1], [0, 0, 1, 1], [], []>, transpose_lhs_hint = false} : vector<256x128xbf16>, vector<128x128xbf16>, vector<256x128xf32> -> vector<256x128xf32>
    %slice3A_76 = vector.extract_strided_slice %convert_element_type3A_23 {offsets = [0, 2048], sizes = [256, 128], strides = [1, 1]} : vector<256x4096xbf16> to vector<256x128xbf16>
    %dot_general3A_77 = arith.constant dense<0.000000e+00> : vector<256x128xf32>
    %dot_general3A_78 = tpu.matmul %slice3A_76, %convert_element_type3A_28, %dot_general3A_77 {dimension_numbers = #tpu.dot_dimension_numbers<[1], [0], [0], [1], [0, 0, 1, 1], [], []>, transpose_lhs_hint = false} : vector<256x128xbf16>, vector<128x128xbf16>, vector<256x128xf32> -> vector<256x128xf32>
    %slice3A_79 = vector.extract_strided_slice %convert_element_type3A_23 {offsets = [0, 2176], sizes = [256, 128], strides = [1, 1]} : vector<256x4096xbf16> to vector<256x128xbf16>
    %dot_general3A_80 = arith.constant dense<0.000000e+00> : vector<256x128xf32>
    %dot_general3A_81 = tpu.matmul %slice3A_79, %convert_element_type3A_28, %dot_general3A_80 {dimension_numbers = #tpu.dot_dimension_numbers<[1], [0], [0], [1], [0, 0, 1, 1], [], []>, transpose_lhs_hint = false} : vector<256x128xbf16>, vector<128x128xbf16>, vector<256x128xf32> -> vector<256x128xf32>
    %slice3A_82 = vector.extract_strided_slice %convert_element_type3A_23 {offsets = [0, 2304], sizes = [256, 128], strides = [1, 1]} : vector<256x4096xbf16> to vector<256x128xbf16>
    %dot_general3A_83 = arith.constant dense<0.000000e+00> : vector<256x128xf32>
    %dot_general3A_84 = tpu.matmul %slice3A_82, %convert_element_type3A_28, %dot_general3A_83 {dimension_numbers = #tpu.dot_dimension_numbers<[1], [0], [0], [1], [0, 0, 1, 1], [], []>, transpose_lhs_hint = false} : vector<256x128xbf16>, vector<128x128xbf16>, vector<256x128xf32> -> vector<256x128xf32>
    %slice3A_85 = vector.extract_strided_slice %convert_element_type3A_23 {offsets = [0, 2432], sizes = [256, 128], strides = [1, 1]} : vector<256x4096xbf16> to vector<256x128xbf16>
    %dot_general3A_86 = arith.constant dense<0.000000e+00> : vector<256x128xf32>
    %dot_general3A_87 = tpu.matmul %slice3A_85, %convert_element_type3A_28, %dot_general3A_86 {dimension_numbers = #tpu.dot_dimension_numbers<[1], [0], [0], [1], [0, 0, 1, 1], [], []>, transpose_lhs_hint = false} : vector<256x128xbf16>, vector<128x128xbf16>, vector<256x128xf32> -> vector<256x128xf32>
    %slice3A_88 = vector.extract_strided_slice %convert_element_type3A_23 {offsets = [0, 2560], sizes = [256, 128], strides = [1, 1]} : vector<256x4096xbf16> to vector<256x128xbf16>
    %dot_general3A_89 = arith.constant dense<0.000000e+00> : vector<256x128xf32>
    %dot_general3A_90 = tpu.matmul %slice3A_88, %convert_element_type3A_28, %dot_general3A_89 {dimension_numbers = #tpu.dot_dimension_numbers<[1], [0], [0], [1], [0, 0, 1, 1], [], []>, transpose_lhs_hint = false} : vector<256x128xbf16>, vector<128x128xbf16>, vector<256x128xf32> -> vector<256x128xf32>
    %slice3A_91 = vector.extract_strided_slice %convert_element_type3A_23 {offsets = [0, 2688], sizes = [256, 128], strides = [1, 1]} : vector<256x4096xbf16> to vector<256x128xbf16>
    %dot_general3A_92 = arith.constant dense<0.000000e+00> : vector<256x128xf32>
    %dot_general3A_93 = tpu.matmul %slice3A_91, %convert_element_type3A_28, %dot_general3A_92 {dimension_numbers = #tpu.dot_dimension_numbers<[1], [0], [0], [1], [0, 0, 1, 1], [], []>, transpose_lhs_hint = false} : vector<256x128xbf16>, vector<128x128xbf16>, vector<256x128xf32> -> vector<256x128xf32>
    %slice3A_94 = vector.extract_strided_slice %convert_element_type3A_23 {offsets = [0, 2816], sizes = [256, 128], strides = [1, 1]} : vector<256x4096xbf16> to vector<256x128xbf16>
    %dot_general3A_95 = arith.constant dense<0.000000e+00> : vector<256x128xf32>
    %dot_general3A_96 = tpu.matmul %slice3A_94, %convert_element_type3A_28, %dot_general3A_95 {dimension_numbers = #tpu.dot_dimension_numbers<[1], [0], [0], [1], [0, 0, 1, 1], [], []>, transpose_lhs_hint = false} : vector<256x128xbf16>, vector<128x128xbf16>, vector<256x128xf32> -> vector<256x128xf32>
    %slice3A_97 = vector.extract_strided_slice %convert_element_type3A_23 {offsets = [0, 2944], sizes = [256, 128], strides = [1, 1]} : vector<256x4096xbf16> to vector<256x128xbf16>
    %dot_general3A_98 = arith.constant dense<0.000000e+00> : vector<256x128xf32>
    %dot_general3A_99 = tpu.matmul %slice3A_97, %convert_element_type3A_28, %dot_general3A_98 {dimension_numbers = #tpu.dot_dimension_numbers<[1], [0], [0], [1], [0, 0, 1, 1], [], []>, transpose_lhs_hint = false} : vector<256x128xbf16>, vector<128x128xbf16>, vector<256x128xf32> -> vector<256x128xf32>
    %slice3A_100 = vector.extract_strided_slice %convert_element_type3A_23 {offsets = [0, 3072], sizes = [256, 128], strides = [1, 1]} : vector<256x4096xbf16> to vector<256x128xbf16>
    %dot_general3A_101 = arith.constant dense<0.000000e+00> : vector<256x128xf32>
    %dot_general3A_102 = tpu.matmul %slice3A_100, %convert_element_type3A_28, %dot_general3A_101 {dimension_numbers = #tpu.dot_dimension_numbers<[1], [0], [0], [1], [0, 0, 1, 1], [], []>, transpose_lhs_hint = false} : vector<256x128xbf16>, vector<128x128xbf16>, vector<256x128xf32> -> vector<256x128xf32>
    %slice3A_103 = vector.extract_strided_slice %convert_element_type3A_23 {offsets = [0, 3200], sizes = [256, 128], strides = [1, 1]} : vector<256x4096xbf16> to vector<256x128xbf16>
    %dot_general3A_104 = arith.constant dense<0.000000e+00> : vector<256x128xf32>
    %dot_general3A_105 = tpu.matmul %slice3A_103, %convert_element_type3A_28, %dot_general3A_104 {dimension_numbers = #tpu.dot_dimension_numbers<[1], [0], [0], [1], [0, 0, 1, 1], [], []>, transpose_lhs_hint = false} : vector<256x128xbf16>, vector<128x128xbf16>, vector<256x128xf32> -> vector<256x128xf32>
    %slice3A_106 = vector.extract_strided_slice %convert_element_type3A_23 {offsets = [0, 3328], sizes = [256, 128], strides = [1, 1]} : vector<256x4096xbf16> to vector<256x128xbf16>
    %dot_general3A_107 = arith.constant dense<0.000000e+00> : vector<256x128xf32>
    %dot_general3A_108 = tpu.matmul %slice3A_106, %convert_element_type3A_28, %dot_general3A_107 {dimension_numbers = #tpu.dot_dimension_numbers<[1], [0], [0], [1], [0, 0, 1, 1], [], []>, transpose_lhs_hint = false} : vector<256x128xbf16>, vector<128x128xbf16>, vector<256x128xf32> -> vector<256x128xf32>
    %slice3A_109 = vector.extract_strided_slice %convert_element_type3A_23 {offsets = [0, 3456], sizes = [256, 128], strides = [1, 1]} : vector<256x4096xbf16> to vector<256x128xbf16>
    %dot_general3A_110 = arith.constant dense<0.000000e+00> : vector<256x128xf32>
    %dot_general3A_111 = tpu.matmul %slice3A_109, %convert_element_type3A_28, %dot_general3A_110 {dimension_numbers = #tpu.dot_dimension_numbers<[1], [0], [0], [1], [0, 0, 1, 1], [], []>, transpose_lhs_hint = false} : vector<256x128xbf16>, vector<128x128xbf16>, vector<256x128xf32> -> vector<256x128xf32>
    %slice3A_112 = vector.extract_strided_slice %convert_element_type3A_23 {offsets = [0, 3584], sizes = [256, 128], strides = [1, 1]} : vector<256x4096xbf16> to vector<256x128xbf16>
    %dot_general3A_113 = arith.constant dense<0.000000e+00> : vector<256x128xf32>
    %dot_general3A_114 = tpu.matmul %slice3A_112, %convert_element_type3A_28, %dot_general3A_113 {dimension_numbers = #tpu.dot_dimension_numbers<[1], [0], [0], [1], [0, 0, 1, 1], [], []>, transpose_lhs_hint = false} : vector<256x128xbf16>, vector<128x128xbf16>, vector<256x128xf32> -> vector<256x128xf32>
    %slice3A_115 = vector.extract_strided_slice %convert_element_type3A_23 {offsets = [0, 3712], sizes = [256, 128], strides = [1, 1]} : vector<256x4096xbf16> to vector<256x128xbf16>
    %dot_general3A_116 = arith.constant dense<0.000000e+00> : vector<256x128xf32>
    %dot_general3A_117 = tpu.matmul %slice3A_115, %convert_element_type3A_28, %dot_general3A_116 {dimension_numbers = #tpu.dot_dimension_numbers<[1], [0], [0], [1], [0, 0, 1, 1], [], []>, transpose_lhs_hint = false} : vector<256x128xbf16>, vector<128x128xbf16>, vector<256x128xf32> -> vector<256x128xf32>
    %slice3A_118 = vector.extract_strided_slice %convert_element_type3A_23 {offsets = [0, 3840], sizes = [256, 128], strides = [1, 1]} : vector<256x4096xbf16> to vector<256x128xbf16>
    %dot_general3A_119 = arith.constant dense<0.000000e+00> : vector<256x128xf32>
    %dot_general3A_120 = tpu.matmul %slice3A_118, %convert_element_type3A_28, %dot_general3A_119 {dimension_numbers = #tpu.dot_dimension_numbers<[1], [0], [0], [1], [0, 0, 1, 1], [], []>, transpose_lhs_hint = false} : vector<256x128xbf16>, vector<128x128xbf16>, vector<256x128xf32> -> vector<256x128xf32>
    %slice3A_121 = vector.extract_strided_slice %convert_element_type3A_23 {offsets = [0, 3968], sizes = [256, 128], strides = [1, 1]} : vector<256x4096xbf16> to vector<256x128xbf16>
    %dot_general3A_122 = arith.constant dense<0.000000e+00> : vector<256x128xf32>
    %dot_general3A_123 = tpu.matmul %slice3A_121, %convert_element_type3A_28, %dot_general3A_122 {dimension_numbers = #tpu.dot_dimension_numbers<[1], [0], [0], [1], [0, 0, 1, 1], [], []>, transpose_lhs_hint = false} : vector<256x128xbf16>, vector<128x128xbf16>, vector<256x128xf32> -> vector<256x128xf32>
    %slice3A_124 = vector.extract_strided_slice %dot_general3A_30 {offsets = [0, 127], sizes = [256, 1], strides = [1, 1]} : vector<256x128xf32> to vector<256x1xf32>
    %slice3A_125 = vector.extract_strided_slice %dot_general3A_33 {offsets = [0, 127], sizes = [256, 1], strides = [1, 1]} : vector<256x128xf32> to vector<256x1xf32>
    %slice3A_126 = vector.extract_strided_slice %dot_general3A_36 {offsets = [0, 127], sizes = [256, 1], strides = [1, 1]} : vector<256x128xf32> to vector<256x1xf32>
    %slice3A_127 = vector.extract_strided_slice %dot_general3A_39 {offsets = [0, 127], sizes = [256, 1], strides = [1, 1]} : vector<256x128xf32> to vector<256x1xf32>
    %slice3A_128 = vector.extract_strided_slice %dot_general3A_42 {offsets = [0, 127], sizes = [256, 1], strides = [1, 1]} : vector<256x128xf32> to vector<256x1xf32>
    %slice3A_129 = vector.extract_strided_slice %dot_general3A_45 {offsets = [0, 127], sizes = [256, 1], strides = [1, 1]} : vector<256x128xf32> to vector<256x1xf32>
    %slice3A_130 = vector.extract_strided_slice %dot_general3A_48 {offsets = [0, 127], sizes = [256, 1], strides = [1, 1]} : vector<256x128xf32> to vector<256x1xf32>
    %slice3A_131 = vector.extract_strided_slice %dot_general3A_51 {offsets = [0, 127], sizes = [256, 1], strides = [1, 1]} : vector<256x128xf32> to vector<256x1xf32>
    %slice3A_132 = vector.extract_strided_slice %dot_general3A_54 {offsets = [0, 127], sizes = [256, 1], strides = [1, 1]} : vector<256x128xf32> to vector<256x1xf32>
    %slice3A_133 = vector.extract_strided_slice %dot_general3A_57 {offsets = [0, 127], sizes = [256, 1], strides = [1, 1]} : vector<256x128xf32> to vector<256x1xf32>
    %slice3A_134 = vector.extract_strided_slice %dot_general3A_60 {offsets = [0, 127], sizes = [256, 1], strides = [1, 1]} : vector<256x128xf32> to vector<256x1xf32>
    %slice3A_135 = vector.extract_strided_slice %dot_general3A_63 {offsets = [0, 127], sizes = [256, 1], strides = [1, 1]} : vector<256x128xf32> to vector<256x1xf32>
    %slice3A_136 = vector.extract_strided_slice %dot_general3A_66 {offsets = [0, 127], sizes = [256, 1], strides = [1, 1]} : vector<256x128xf32> to vector<256x1xf32>
    %slice3A_137 = vector.extract_strided_slice %dot_general3A_69 {offsets = [0, 127], sizes = [256, 1], strides = [1, 1]} : vector<256x128xf32> to vector<256x1xf32>
    %slice3A_138 = vector.extract_strided_slice %dot_general3A_72 {offsets = [0, 127], sizes = [256, 1], strides = [1, 1]} : vector<256x128xf32> to vector<256x1xf32>
    %slice3A_139 = vector.extract_strided_slice %dot_general3A_75 {offsets = [0, 127], sizes = [256, 1], strides = [1, 1]} : vector<256x128xf32> to vector<256x1xf32>
    %slice3A_140 = vector.extract_strided_slice %dot_general3A_78 {offsets = [0, 127], sizes = [256, 1], strides = [1, 1]} : vector<256x128xf32> to vector<256x1xf32>
    %slice3A_141 = vector.extract_strided_slice %dot_general3A_81 {offsets = [0, 127], sizes = [256, 1], strides = [1, 1]} : vector<256x128xf32> to vector<256x1xf32>
    %slice3A_142 = vector.extract_strided_slice %dot_general3A_84 {offsets = [0, 127], sizes = [256, 1], strides = [1, 1]} : vector<256x128xf32> to vector<256x1xf32>
    %slice3A_143 = vector.extract_strided_slice %dot_general3A_87 {offsets = [0, 127], sizes = [256, 1], strides = [1, 1]} : vector<256x128xf32> to vector<256x1xf32>
    %slice3A_144 = vector.extract_strided_slice %dot_general3A_90 {offsets = [0, 127], sizes = [256, 1], strides = [1, 1]} : vector<256x128xf32> to vector<256x1xf32>
    %slice3A_145 = vector.extract_strided_slice %dot_general3A_93 {offsets = [0, 127], sizes = [256, 1], strides = [1, 1]} : vector<256x128xf32> to vector<256x1xf32>
    %slice3A_146 = vector.extract_strided_slice %dot_general3A_96 {offsets = [0, 127], sizes = [256, 1], strides = [1, 1]} : vector<256x128xf32> to vector<256x1xf32>
    %slice3A_147 = vector.extract_strided_slice %dot_general3A_99 {offsets = [0, 127], sizes = [256, 1], strides = [1, 1]} : vector<256x128xf32> to vector<256x1xf32>
    %slice3A_148 = vector.extract_strided_slice %dot_general3A_102 {offsets = [0, 127], sizes = [256, 1], strides = [1, 1]} : vector<256x128xf32> to vector<256x1xf32>
    %slice3A_149 = vector.extract_strided_slice %dot_general3A_105 {offsets = [0, 127], sizes = [256, 1], strides = [1, 1]} : vector<256x128xf32> to vector<256x1xf32>
    %slice3A_150 = vector.extract_strided_slice %dot_general3A_108 {offsets = [0, 127], sizes = [256, 1], strides = [1, 1]} : vector<256x128xf32> to vector<256x1xf32>
    %slice3A_151 = vector.extract_strided_slice %dot_general3A_111 {offsets = [0, 127], sizes = [256, 1], strides = [1, 1]} : vector<256x128xf32> to vector<256x1xf32>
    %slice3A_152 = vector.extract_strided_slice %dot_general3A_114 {offsets = [0, 127], sizes = [256, 1], strides = [1, 1]} : vector<256x128xf32> to vector<256x1xf32>
    %slice3A_153 = vector.extract_strided_slice %dot_general3A_117 {offsets = [0, 127], sizes = [256, 1], strides = [1, 1]} : vector<256x128xf32> to vector<256x1xf32>
    %slice3A_154 = vector.extract_strided_slice %dot_general3A_120 {offsets = [0, 127], sizes = [256, 1], strides = [1, 1]} : vector<256x128xf32> to vector<256x1xf32>
    %slice3A_155 = vector.extract_strided_slice %dot_general3A_123 {offsets = [0, 127], sizes = [256, 1], strides = [1, 1]} : vector<256x128xf32> to vector<256x1xf32>
    %concatenate3A = tpu.concatenate %slice3A_124, %slice3A_125, %slice3A_126, %slice3A_127, %slice3A_128, %slice3A_129, %slice3A_130, %slice3A_131, %slice3A_132, %slice3A_133, %slice3A_134, %slice3A_135, %slice3A_136, %slice3A_137, %slice3A_138, %slice3A_139, %slice3A_140, %slice3A_141, %slice3A_142, %slice3A_143, %slice3A_144, %slice3A_145, %slice3A_146, %slice3A_147, %slice3A_148, %slice3A_149, %slice3A_150, %slice3A_151, %slice3A_152, %slice3A_153, %slice3A_154, %slice3A_155 in 1 : vector<256x1xf32>, vector<256x1xf32>, vector<256x1xf32>, vector<256x1xf32>, vector<256x1xf32>, vector<256x1xf32>, vector<256x1xf32>, vector<256x1xf32>, vector<256x1xf32>, vector<256x1xf32>, vector<256x1xf32>, vector<256x1xf32>, vector<256x1xf32>, vector<256x1xf32>, vector<256x1xf32>, vector<256x1xf32>, vector<256x1xf32>, vector<256x1xf32>, vector<256x1xf32>, vector<256x1xf32>, vector<256x1xf32>, vector<256x1xf32>, vector<256x1xf32>, vector<256x1xf32>, vector<256x1xf32>, vector<256x1xf32>, vector<256x1xf32>, vector<256x1xf32>, vector<256x1xf32>, vector<256x1xf32>, vector<256x1xf32>, vector<256x1xf32> -> vector<256x32xf32>
    %iota3A_156 = tpu.iota {dimensions = array<i32: 0>} : vector<32x32xi32>
    %iota3A_157 = tpu.iota {dimensions = array<i32: 1>} : vector<32x32xi32>
    %lt3A = arith.cmpi slt, %iota3A_156, %iota3A_157 : vector<32x32xi32>
    %convert_element_type3A_158 = arith.extui %lt3A : vector<32x32xi1> to vector<32x32xi32>
    %convert_element_type3A_159 = arith.sitofp %convert_element_type3A_158 : vector<32x32xi32> to vector<32x32xf32>
    %dot_general3A_160 = arith.constant dense<0.000000e+00> : vector<256x32xf32>
    %dot_general3A_161 = tpu.matmul %concatenate3A, %convert_element_type3A_159, %dot_general3A_160 {dimension_numbers = #tpu.dot_dimension_numbers<[1], [0], [0], [1], [0, 0, 1, 1], [], []>, precision = #tpu.contract_precision<fp32>, transpose_lhs_hint = false} : vector<256x32xf32>, vector<32x32xf32>, vector<256x32xf32> -> vector<256x32xf32>
    %slice3A_162 = vector.extract_strided_slice %dot_general3A_161 {offsets = [0, 0], sizes = [256, 1], strides = [1, 1]} : vector<256x32xf32> to vector<256x1xf32>
    %add3A_163 = vector.broadcast %slice3A_162 : vector<256x1xf32> to vector<256x128xf32>
    %add3A_164 = arith.addf %dot_general3A_30, %add3A_163 : vector<256x128xf32>
    %slice3A_165 = vector.extract_strided_slice %dot_general3A_161 {offsets = [0, 1], sizes = [256, 1], strides = [1, 1]} : vector<256x32xf32> to vector<256x1xf32>
    %add3A_166 = vector.broadcast %slice3A_165 : vector<256x1xf32> to vector<256x128xf32>
    %add3A_167 = arith.addf %dot_general3A_33, %add3A_166 : vector<256x128xf32>
    %slice3A_168 = vector.extract_strided_slice %dot_general3A_161 {offsets = [0, 2], sizes = [256, 1], strides = [1, 1]} : vector<256x32xf32> to vector<256x1xf32>
    %add3A_169 = vector.broadcast %slice3A_168 : vector<256x1xf32> to vector<256x128xf32>
    %add3A_170 = arith.addf %dot_general3A_36, %add3A_169 : vector<256x128xf32>
    %slice3A_171 = vector.extract_strided_slice %dot_general3A_161 {offsets = [0, 3], sizes = [256, 1], strides = [1, 1]} : vector<256x32xf32> to vector<256x1xf32>
    %add3A_172 = vector.broadcast %slice3A_171 : vector<256x1xf32> to vector<256x128xf32>
    %add3A_173 = arith.addf %dot_general3A_39, %add3A_172 : vector<256x128xf32>
    %slice3A_174 = vector.extract_strided_slice %dot_general3A_161 {offsets = [0, 4], sizes = [256, 1], strides = [1, 1]} : vector<256x32xf32> to vector<256x1xf32>
    %add3A_175 = vector.broadcast %slice3A_174 : vector<256x1xf32> to vector<256x128xf32>
    %add3A_176 = arith.addf %dot_general3A_42, %add3A_175 : vector<256x128xf32>
    %slice3A_177 = vector.extract_strided_slice %dot_general3A_161 {offsets = [0, 5], sizes = [256, 1], strides = [1, 1]} : vector<256x32xf32> to vector<256x1xf32>
    %add3A_178 = vector.broadcast %slice3A_177 : vector<256x1xf32> to vector<256x128xf32>
    %add3A_179 = arith.addf %dot_general3A_45, %add3A_178 : vector<256x128xf32>
    %slice3A_180 = vector.extract_strided_slice %dot_general3A_161 {offsets = [0, 6], sizes = [256, 1], strides = [1, 1]} : vector<256x32xf32> to vector<256x1xf32>
    %add3A_181 = vector.broadcast %slice3A_180 : vector<256x1xf32> to vector<256x128xf32>
    %add3A_182 = arith.addf %dot_general3A_48, %add3A_181 : vector<256x128xf32>
    %slice3A_183 = vector.extract_strided_slice %dot_general3A_161 {offsets = [0, 7], sizes = [256, 1], strides = [1, 1]} : vector<256x32xf32> to vector<256x1xf32>
    %add3A_184 = vector.broadcast %slice3A_183 : vector<256x1xf32> to vector<256x128xf32>
    %add3A_185 = arith.addf %dot_general3A_51, %add3A_184 : vector<256x128xf32>
    %slice3A_186 = vector.extract_strided_slice %dot_general3A_161 {offsets = [0, 8], sizes = [256, 1], strides = [1, 1]} : vector<256x32xf32> to vector<256x1xf32>
    %add3A_187 = vector.broadcast %slice3A_186 : vector<256x1xf32> to vector<256x128xf32>
    %add3A_188 = arith.addf %dot_general3A_54, %add3A_187 : vector<256x128xf32>
    %slice3A_189 = vector.extract_strided_slice %dot_general3A_161 {offsets = [0, 9], sizes = [256, 1], strides = [1, 1]} : vector<256x32xf32> to vector<256x1xf32>
    %add3A_190 = vector.broadcast %slice3A_189 : vector<256x1xf32> to vector<256x128xf32>
    %add3A_191 = arith.addf %dot_general3A_57, %add3A_190 : vector<256x128xf32>
    %slice3A_192 = vector.extract_strided_slice %dot_general3A_161 {offsets = [0, 10], sizes = [256, 1], strides = [1, 1]} : vector<256x32xf32> to vector<256x1xf32>
    %add3A_193 = vector.broadcast %slice3A_192 : vector<256x1xf32> to vector<256x128xf32>
    %add3A_194 = arith.addf %dot_general3A_60, %add3A_193 : vector<256x128xf32>
    %slice3A_195 = vector.extract_strided_slice %dot_general3A_161 {offsets = [0, 11], sizes = [256, 1], strides = [1, 1]} : vector<256x32xf32> to vector<256x1xf32>
    %add3A_196 = vector.broadcast %slice3A_195 : vector<256x1xf32> to vector<256x128xf32>
    %add3A_197 = arith.addf %dot_general3A_63, %add3A_196 : vector<256x128xf32>
    %slice3A_198 = vector.extract_strided_slice %dot_general3A_161 {offsets = [0, 12], sizes = [256, 1], strides = [1, 1]} : vector<256x32xf32> to vector<256x1xf32>
    %add3A_199 = vector.broadcast %slice3A_198 : vector<256x1xf32> to vector<256x128xf32>
    %add3A_200 = arith.addf %dot_general3A_66, %add3A_199 : vector<256x128xf32>
    %slice3A_201 = vector.extract_strided_slice %dot_general3A_161 {offsets = [0, 13], sizes = [256, 1], strides = [1, 1]} : vector<256x32xf32> to vector<256x1xf32>
    %add3A_202 = vector.broadcast %slice3A_201 : vector<256x1xf32> to vector<256x128xf32>
    %add3A_203 = arith.addf %dot_general3A_69, %add3A_202 : vector<256x128xf32>
    %slice3A_204 = vector.extract_strided_slice %dot_general3A_161 {offsets = [0, 14], sizes = [256, 1], strides = [1, 1]} : vector<256x32xf32> to vector<256x1xf32>
    %add3A_205 = vector.broadcast %slice3A_204 : vector<256x1xf32> to vector<256x128xf32>
    %add3A_206 = arith.addf %dot_general3A_72, %add3A_205 : vector<256x128xf32>
    %slice3A_207 = vector.extract_strided_slice %dot_general3A_161 {offsets = [0, 15], sizes = [256, 1], strides = [1, 1]} : vector<256x32xf32> to vector<256x1xf32>
    %add3A_208 = vector.broadcast %slice3A_207 : vector<256x1xf32> to vector<256x128xf32>
    %add3A_209 = arith.addf %dot_general3A_75, %add3A_208 : vector<256x128xf32>
    %slice3A_210 = vector.extract_strided_slice %dot_general3A_161 {offsets = [0, 16], sizes = [256, 1], strides = [1, 1]} : vector<256x32xf32> to vector<256x1xf32>
    %add3A_211 = vector.broadcast %slice3A_210 : vector<256x1xf32> to vector<256x128xf32>
    %add3A_212 = arith.addf %dot_general3A_78, %add3A_211 : vector<256x128xf32>
    %slice3A_213 = vector.extract_strided_slice %dot_general3A_161 {offsets = [0, 17], sizes = [256, 1], strides = [1, 1]} : vector<256x32xf32> to vector<256x1xf32>
    %add3A_214 = vector.broadcast %slice3A_213 : vector<256x1xf32> to vector<256x128xf32>
    %add3A_215 = arith.addf %dot_general3A_81, %add3A_214 : vector<256x128xf32>
    %slice3A_216 = vector.extract_strided_slice %dot_general3A_161 {offsets = [0, 18], sizes = [256, 1], strides = [1, 1]} : vector<256x32xf32> to vector<256x1xf32>
    %add3A_217 = vector.broadcast %slice3A_216 : vector<256x1xf32> to vector<256x128xf32>
    %add3A_218 = arith.addf %dot_general3A_84, %add3A_217 : vector<256x128xf32>
    %slice3A_219 = vector.extract_strided_slice %dot_general3A_161 {offsets = [0, 19], sizes = [256, 1], strides = [1, 1]} : vector<256x32xf32> to vector<256x1xf32>
    %add3A_220 = vector.broadcast %slice3A_219 : vector<256x1xf32> to vector<256x128xf32>
    %add3A_221 = arith.addf %dot_general3A_87, %add3A_220 : vector<256x128xf32>
    %slice3A_222 = vector.extract_strided_slice %dot_general3A_161 {offsets = [0, 20], sizes = [256, 1], strides = [1, 1]} : vector<256x32xf32> to vector<256x1xf32>
    %add3A_223 = vector.broadcast %slice3A_222 : vector<256x1xf32> to vector<256x128xf32>
    %add3A_224 = arith.addf %dot_general3A_90, %add3A_223 : vector<256x128xf32>
    %slice3A_225 = vector.extract_strided_slice %dot_general3A_161 {offsets = [0, 21], sizes = [256, 1], strides = [1, 1]} : vector<256x32xf32> to vector<256x1xf32>
    %add3A_226 = vector.broadcast %slice3A_225 : vector<256x1xf32> to vector<256x128xf32>
    %add3A_227 = arith.addf %dot_general3A_93, %add3A_226 : vector<256x128xf32>
    %slice3A_228 = vector.extract_strided_slice %dot_general3A_161 {offsets = [0, 22], sizes = [256, 1], strides = [1, 1]} : vector<256x32xf32> to vector<256x1xf32>
    %add3A_229 = vector.broadcast %slice3A_228 : vector<256x1xf32> to vector<256x128xf32>
    %add3A_230 = arith.addf %dot_general3A_96, %add3A_229 : vector<256x128xf32>
    %slice3A_231 = vector.extract_strided_slice %dot_general3A_161 {offsets = [0, 23], sizes = [256, 1], strides = [1, 1]} : vector<256x32xf32> to vector<256x1xf32>
    %add3A_232 = vector.broadcast %slice3A_231 : vector<256x1xf32> to vector<256x128xf32>
    %add3A_233 = arith.addf %dot_general3A_99, %add3A_232 : vector<256x128xf32>
    %slice3A_234 = vector.extract_strided_slice %dot_general3A_161 {offsets = [0, 24], sizes = [256, 1], strides = [1, 1]} : vector<256x32xf32> to vector<256x1xf32>
    %add3A_235 = vector.broadcast %slice3A_234 : vector<256x1xf32> to vector<256x128xf32>
    %add3A_236 = arith.addf %dot_general3A_102, %add3A_235 : vector<256x128xf32>
    %slice3A_237 = vector.extract_strided_slice %dot_general3A_161 {offsets = [0, 25], sizes = [256, 1], strides = [1, 1]} : vector<256x32xf32> to vector<256x1xf32>
    %add3A_238 = vector.broadcast %slice3A_237 : vector<256x1xf32> to vector<256x128xf32>
    %add3A_239 = arith.addf %dot_general3A_105, %add3A_238 : vector<256x128xf32>
    %slice3A_240 = vector.extract_strided_slice %dot_general3A_161 {offsets = [0, 26], sizes = [256, 1], strides = [1, 1]} : vector<256x32xf32> to vector<256x1xf32>
    %add3A_241 = vector.broadcast %slice3A_240 : vector<256x1xf32> to vector<256x128xf32>
    %add3A_242 = arith.addf %dot_general3A_108, %add3A_241 : vector<256x128xf32>
    %slice3A_243 = vector.extract_strided_slice %dot_general3A_161 {offsets = [0, 27], sizes = [256, 1], strides = [1, 1]} : vector<256x32xf32> to vector<256x1xf32>
    %add3A_244 = vector.broadcast %slice3A_243 : vector<256x1xf32> to vector<256x128xf32>
    %add3A_245 = arith.addf %dot_general3A_111, %add3A_244 : vector<256x128xf32>
    %slice3A_246 = vector.extract_strided_slice %dot_general3A_161 {offsets = [0, 28], sizes = [256, 1], strides = [1, 1]} : vector<256x32xf32> to vector<256x1xf32>
    %add3A_247 = vector.broadcast %slice3A_246 : vector<256x1xf32> to vector<256x128xf32>
    %add3A_248 = arith.addf %dot_general3A_114, %add3A_247 : vector<256x128xf32>
    %slice3A_249 = vector.extract_strided_slice %dot_general3A_161 {offsets = [0, 29], sizes = [256, 1], strides = [1, 1]} : vector<256x32xf32> to vector<256x1xf32>
    %add3A_250 = vector.broadcast %slice3A_249 : vector<256x1xf32> to vector<256x128xf32>
    %add3A_251 = arith.addf %dot_general3A_117, %add3A_250 : vector<256x128xf32>
    %slice3A_252 = vector.extract_strided_slice %dot_general3A_161 {offsets = [0, 30], sizes = [256, 1], strides = [1, 1]} : vector<256x32xf32> to vector<256x1xf32>
    %add3A_253 = vector.broadcast %slice3A_252 : vector<256x1xf32> to vector<256x128xf32>
    %add3A_254 = arith.addf %dot_general3A_120, %add3A_253 : vector<256x128xf32>
    %slice3A_255 = vector.extract_strided_slice %dot_general3A_161 {offsets = [0, 31], sizes = [256, 1], strides = [1, 1]} : vector<256x32xf32> to vector<256x1xf32>
    %add3A_256 = vector.broadcast %slice3A_255 : vector<256x1xf32> to vector<256x128xf32>
    %add3A_257 = arith.addf %dot_general3A_123, %add3A_256 : vector<256x128xf32>
    %concatenate3A_258 = tpu.concatenate %add3A_164, %add3A_167, %add3A_170, %add3A_173, %add3A_176, %add3A_179, %add3A_182, %add3A_185, %add3A_188, %add3A_191, %add3A_194, %add3A_197, %add3A_200, %add3A_203, %add3A_206, %add3A_209, %add3A_212, %add3A_215, %add3A_218, %add3A_221, %add3A_224, %add3A_227, %add3A_230, %add3A_233, %add3A_236, %add3A_239, %add3A_242, %add3A_245, %add3A_248, %add3A_251, %add3A_254, %add3A_257 in 1 : vector<256x128xf32>, vector<256x128xf32>, vector<256x128xf32>, vector<256x128xf32>, vector<256x128xf32>, vector<256x128xf32>, vector<256x128xf32>, vector<256x128xf32>, vector<256x128xf32>, vector<256x128xf32>, vector<256x128xf32>, vector<256x128xf32>, vector<256x128xf32>, vector<256x128xf32>, vector<256x128xf32>, vector<256x128xf32>, vector<256x128xf32>, vector<256x128xf32>, vector<256x128xf32>, vector<256x128xf32>, vector<256x128xf32>, vector<256x128xf32>, vector<256x128xf32>, vector<256x128xf32>, vector<256x128xf32>, vector<256x128xf32>, vector<256x128xf32>, vector<256x128xf32>, vector<256x128xf32>, vector<256x128xf32>, vector<256x128xf32>, vector<256x128xf32> -> vector<256x4096xf32>
    %slice3A_259 = vector.extract_strided_slice %concatenate3A_258 {offsets = [0, 4095], sizes = [256, 1], strides = [1, 1]} : vector<256x4096xf32> to vector<256x1xf32>
    %le3A_260 = arith.constant 0.000000e+00 : f32
    %le3A_261 = vector.broadcast %le3A_260 : f32 to vector<256x4096xf32>
    %le3A_262 = arith.cmpf ole, %concatenate3A_258, %le3A_261 : vector<256x4096xf32>
    %convert_element_type3A_263 = arith.extui %le3A_262 : vector<256x4096xi1> to vector<256x4096xi32>
    %convert_element_type3A_264 = arith.sitofp %convert_element_type3A_263 : vector<256x4096xi32> to vector<256x4096xf32>
    %reduce_sum3A_265 = arith.constant dense<0.000000e+00> : vector<256xf32>
    %reduce_sum3A_266 = vector.multi_reduction <add>, %convert_element_type3A_264, %reduce_sum3A_265 [1] : vector<256x4096xf32> to vector<256xf32>
    %broadcast_in_dim3A_267 = vector.shape_cast %reduce_sum3A_266 : vector<256xf32> to vector<256x1xf32>
    %le3A_268 = arith.constant 1.000000e+00 : f32
    %le3A_269 = vector.broadcast %le3A_268 : f32 to vector<256x4096xf32>
    %le3A_270 = arith.cmpf ole, %concatenate3A_258, %le3A_269 : vector<256x4096xf32>
    %convert_element_type3A_271 = arith.extui %le3A_270 : vector<256x4096xi1> to vector<256x4096xi32>
    %convert_element_type3A_272 = arith.sitofp %convert_element_type3A_271 : vector<256x4096xi32> to vector<256x4096xf32>
    %reduce_sum3A_273 = arith.constant dense<0.000000e+00> : vector<256xf32>
    %reduce_sum3A_274 = vector.multi_reduction <add>, %convert_element_type3A_272, %reduce_sum3A_273 [1] : vector<256x4096xf32> to vector<256xf32>
    %broadcast_in_dim3A_275 = vector.shape_cast %reduce_sum3A_274 : vector<256xf32> to vector<256x1xf32>
    %le3A_276 = arith.constant 2.000000e+00 : f32
    %le3A_277 = vector.broadcast %le3A_276 : f32 to vector<256x4096xf32>
    %le3A_278 = arith.cmpf ole, %concatenate3A_258, %le3A_277 : vector<256x4096xf32>
    %convert_element_type3A_279 = arith.extui %le3A_278 : vector<256x4096xi1> to vector<256x4096xi32>
    %convert_element_type3A_280 = arith.sitofp %convert_element_type3A_279 : vector<256x4096xi32> to vector<256x4096xf32>
    %reduce_sum3A_281 = arith.constant dense<0.000000e+00> : vector<256xf32>
    %reduce_sum3A_282 = vector.multi_reduction <add>, %convert_element_type3A_280, %reduce_sum3A_281 [1] : vector<256x4096xf32> to vector<256xf32>
    %broadcast_in_dim3A_283 = vector.shape_cast %reduce_sum3A_282 : vector<256xf32> to vector<256x1xf32>
    %le3A_284 = arith.constant 3.000000e+00 : f32
    %le3A_285 = vector.broadcast %le3A_284 : f32 to vector<256x4096xf32>
    %le3A_286 = arith.cmpf ole, %concatenate3A_258, %le3A_285 : vector<256x4096xf32>
    %convert_element_type3A_287 = arith.extui %le3A_286 : vector<256x4096xi1> to vector<256x4096xi32>
    %convert_element_type3A_288 = arith.sitofp %convert_element_type3A_287 : vector<256x4096xi32> to vector<256x4096xf32>
    %reduce_sum3A_289 = arith.constant dense<0.000000e+00> : vector<256xf32>
    %reduce_sum3A_290 = vector.multi_reduction <add>, %convert_element_type3A_288, %reduce_sum3A_289 [1] : vector<256x4096xf32> to vector<256xf32>
    %broadcast_in_dim3A_291 = vector.shape_cast %reduce_sum3A_290 : vector<256xf32> to vector<256x1xf32>
    %le3A_292 = arith.constant 4.000000e+00 : f32
    %le3A_293 = vector.broadcast %le3A_292 : f32 to vector<256x4096xf32>
    %le3A_294 = arith.cmpf ole, %concatenate3A_258, %le3A_293 : vector<256x4096xf32>
    %convert_element_type3A_295 = arith.extui %le3A_294 : vector<256x4096xi1> to vector<256x4096xi32>
    %convert_element_type3A_296 = arith.sitofp %convert_element_type3A_295 : vector<256x4096xi32> to vector<256x4096xf32>
    %reduce_sum3A_297 = arith.constant dense<0.000000e+00> : vector<256xf32>
    %reduce_sum3A_298 = vector.multi_reduction <add>, %convert_element_type3A_296, %reduce_sum3A_297 [1] : vector<256x4096xf32> to vector<256xf32>
    %broadcast_in_dim3A_299 = vector.shape_cast %reduce_sum3A_298 : vector<256xf32> to vector<256x1xf32>
    %le3A_300 = arith.constant 5.000000e+00 : f32
    %le3A_301 = vector.broadcast %le3A_300 : f32 to vector<256x4096xf32>
    %le3A_302 = arith.cmpf ole, %concatenate3A_258, %le3A_301 : vector<256x4096xf32>
    %convert_element_type3A_303 = arith.extui %le3A_302 : vector<256x4096xi1> to vector<256x4096xi32>
    %convert_element_type3A_304 = arith.sitofp %convert_element_type3A_303 : vector<256x4096xi32> to vector<256x4096xf32>
    %reduce_sum3A_305 = arith.constant dense<0.000000e+00> : vector<256xf32>
    %reduce_sum3A_306 = vector.multi_reduction <add>, %convert_element_type3A_304, %reduce_sum3A_305 [1] : vector<256x4096xf32> to vector<256xf32>
    %broadcast_in_dim3A_307 = vector.shape_cast %reduce_sum3A_306 : vector<256xf32> to vector<256x1xf32>
    %le3A_308 = arith.constant 6.000000e+00 : f32
    %le3A_309 = vector.broadcast %le3A_308 : f32 to vector<256x4096xf32>
    %le3A_310 = arith.cmpf ole, %concatenate3A_258, %le3A_309 : vector<256x4096xf32>
    %convert_element_type3A_311 = arith.extui %le3A_310 : vector<256x4096xi1> to vector<256x4096xi32>
    %convert_element_type3A_312 = arith.sitofp %convert_element_type3A_311 : vector<256x4096xi32> to vector<256x4096xf32>
    %reduce_sum3A_313 = arith.constant dense<0.000000e+00> : vector<256xf32>
    %reduce_sum3A_314 = vector.multi_reduction <add>, %convert_element_type3A_312, %reduce_sum3A_313 [1] : vector<256x4096xf32> to vector<256xf32>
    %broadcast_in_dim3A_315 = vector.shape_cast %reduce_sum3A_314 : vector<256xf32> to vector<256x1xf32>
    %le3A_316 = arith.constant 7.000000e+00 : f32
    %le3A_317 = vector.broadcast %le3A_316 : f32 to vector<256x4096xf32>
    %le3A_318 = arith.cmpf ole, %concatenate3A_258, %le3A_317 : vector<256x4096xf32>
    %convert_element_type3A_319 = arith.extui %le3A_318 : vector<256x4096xi1> to vector<256x4096xi32>
    %convert_element_type3A_320 = arith.sitofp %convert_element_type3A_319 : vector<256x4096xi32> to vector<256x4096xf32>
    %reduce_sum3A_321 = arith.constant dense<0.000000e+00> : vector<256xf32>
    %reduce_sum3A_322 = vector.multi_reduction <add>, %convert_element_type3A_320, %reduce_sum3A_321 [1] : vector<256x4096xf32> to vector<256xf32>
    %broadcast_in_dim3A_323 = vector.shape_cast %reduce_sum3A_322 : vector<256xf32> to vector<256x1xf32>
    %le3A_324 = arith.constant 8.000000e+00 : f32
    %le3A_325 = vector.broadcast %le3A_324 : f32 to vector<256x4096xf32>
    %le3A_326 = arith.cmpf ole, %concatenate3A_258, %le3A_325 : vector<256x4096xf32>
    %convert_element_type3A_327 = arith.extui %le3A_326 : vector<256x4096xi1> to vector<256x4096xi32>
    %convert_element_type3A_328 = arith.sitofp %convert_element_type3A_327 : vector<256x4096xi32> to vector<256x4096xf32>
    %reduce_sum3A_329 = arith.constant dense<0.000000e+00> : vector<256xf32>
    %reduce_sum3A_330 = vector.multi_reduction <add>, %convert_element_type3A_328, %reduce_sum3A_329 [1] : vector<256x4096xf32> to vector<256xf32>
    %broadcast_in_dim3A_331 = vector.shape_cast %reduce_sum3A_330 : vector<256xf32> to vector<256x1xf32>
    %le3A_332 = arith.constant 9.000000e+00 : f32
    %le3A_333 = vector.broadcast %le3A_332 : f32 to vector<256x4096xf32>
    %le3A_334 = arith.cmpf ole, %concatenate3A_258, %le3A_333 : vector<256x4096xf32>
    %convert_element_type3A_335 = arith.extui %le3A_334 : vector<256x4096xi1> to vector<256x4096xi32>
    %convert_element_type3A_336 = arith.sitofp %convert_element_type3A_335 : vector<256x4096xi32> to vector<256x4096xf32>
    %reduce_sum3A_337 = arith.constant dense<0.000000e+00> : vector<256xf32>
    %reduce_sum3A_338 = vector.multi_reduction <add>, %convert_element_type3A_336, %reduce_sum3A_337 [1] : vector<256x4096xf32> to vector<256xf32>
    %broadcast_in_dim3A_339 = vector.shape_cast %reduce_sum3A_338 : vector<256xf32> to vector<256x1xf32>
    %le3A_340 = arith.constant 1.000000e+01 : f32
    %le3A_341 = vector.broadcast %le3A_340 : f32 to vector<256x4096xf32>
    %le3A_342 = arith.cmpf ole, %concatenate3A_258, %le3A_341 : vector<256x4096xf32>
    %convert_element_type3A_343 = arith.extui %le3A_342 : vector<256x4096xi1> to vector<256x4096xi32>
    %convert_element_type3A_344 = arith.sitofp %convert_element_type3A_343 : vector<256x4096xi32> to vector<256x4096xf32>
    %reduce_sum3A_345 = arith.constant dense<0.000000e+00> : vector<256xf32>
    %reduce_sum3A_346 = vector.multi_reduction <add>, %convert_element_type3A_344, %reduce_sum3A_345 [1] : vector<256x4096xf32> to vector<256xf32>
    %broadcast_in_dim3A_347 = vector.shape_cast %reduce_sum3A_346 : vector<256xf32> to vector<256x1xf32>
    %le3A_348 = arith.constant 1.100000e+01 : f32
    %le3A_349 = vector.broadcast %le3A_348 : f32 to vector<256x4096xf32>
    %le3A_350 = arith.cmpf ole, %concatenate3A_258, %le3A_349 : vector<256x4096xf32>
    %convert_element_type3A_351 = arith.extui %le3A_350 : vector<256x4096xi1> to vector<256x4096xi32>
    %convert_element_type3A_352 = arith.sitofp %convert_element_type3A_351 : vector<256x4096xi32> to vector<256x4096xf32>
    %reduce_sum3A_353 = arith.constant dense<0.000000e+00> : vector<256xf32>
    %reduce_sum3A_354 = vector.multi_reduction <add>, %convert_element_type3A_352, %reduce_sum3A_353 [1] : vector<256x4096xf32> to vector<256xf32>
    %broadcast_in_dim3A_355 = vector.shape_cast %reduce_sum3A_354 : vector<256xf32> to vector<256x1xf32>
    %le3A_356 = arith.constant 1.200000e+01 : f32
    %le3A_357 = vector.broadcast %le3A_356 : f32 to vector<256x4096xf32>
    %le3A_358 = arith.cmpf ole, %concatenate3A_258, %le3A_357 : vector<256x4096xf32>
    %convert_element_type3A_359 = arith.extui %le3A_358 : vector<256x4096xi1> to vector<256x4096xi32>
    %convert_element_type3A_360 = arith.sitofp %convert_element_type3A_359 : vector<256x4096xi32> to vector<256x4096xf32>
    %reduce_sum3A_361 = arith.constant dense<0.000000e+00> : vector<256xf32>
    %reduce_sum3A_362 = vector.multi_reduction <add>, %convert_element_type3A_360, %reduce_sum3A_361 [1] : vector<256x4096xf32> to vector<256xf32>
    %broadcast_in_dim3A_363 = vector.shape_cast %reduce_sum3A_362 : vector<256xf32> to vector<256x1xf32>
    %le3A_364 = arith.constant 1.300000e+01 : f32
    %le3A_365 = vector.broadcast %le3A_364 : f32 to vector<256x4096xf32>
    %le3A_366 = arith.cmpf ole, %concatenate3A_258, %le3A_365 : vector<256x4096xf32>
    %convert_element_type3A_367 = arith.extui %le3A_366 : vector<256x4096xi1> to vector<256x4096xi32>
    %convert_element_type3A_368 = arith.sitofp %convert_element_type3A_367 : vector<256x4096xi32> to vector<256x4096xf32>
    %reduce_sum3A_369 = arith.constant dense<0.000000e+00> : vector<256xf32>
    %reduce_sum3A_370 = vector.multi_reduction <add>, %convert_element_type3A_368, %reduce_sum3A_369 [1] : vector<256x4096xf32> to vector<256xf32>
    %broadcast_in_dim3A_371 = vector.shape_cast %reduce_sum3A_370 : vector<256xf32> to vector<256x1xf32>
    %le3A_372 = arith.constant 1.400000e+01 : f32
    %le3A_373 = vector.broadcast %le3A_372 : f32 to vector<256x4096xf32>
    %le3A_374 = arith.cmpf ole, %concatenate3A_258, %le3A_373 : vector<256x4096xf32>
    %convert_element_type3A_375 = arith.extui %le3A_374 : vector<256x4096xi1> to vector<256x4096xi32>
    %convert_element_type3A_376 = arith.sitofp %convert_element_type3A_375 : vector<256x4096xi32> to vector<256x4096xf32>
    %reduce_sum3A_377 = arith.constant dense<0.000000e+00> : vector<256xf32>
    %reduce_sum3A_378 = vector.multi_reduction <add>, %convert_element_type3A_376, %reduce_sum3A_377 [1] : vector<256x4096xf32> to vector<256xf32>
    %broadcast_in_dim3A_379 = vector.shape_cast %reduce_sum3A_378 : vector<256xf32> to vector<256x1xf32>
    %le3A_380 = arith.constant 1.500000e+01 : f32
    %le3A_381 = vector.broadcast %le3A_380 : f32 to vector<256x4096xf32>
    %le3A_382 = arith.cmpf ole, %concatenate3A_258, %le3A_381 : vector<256x4096xf32>
    %convert_element_type3A_383 = arith.extui %le3A_382 : vector<256x4096xi1> to vector<256x4096xi32>
    %convert_element_type3A_384 = arith.sitofp %convert_element_type3A_383 : vector<256x4096xi32> to vector<256x4096xf32>
    %reduce_sum3A_385 = arith.constant dense<0.000000e+00> : vector<256xf32>
    %reduce_sum3A_386 = vector.multi_reduction <add>, %convert_element_type3A_384, %reduce_sum3A_385 [1] : vector<256x4096xf32> to vector<256xf32>
    %broadcast_in_dim3A_387 = vector.shape_cast %reduce_sum3A_386 : vector<256xf32> to vector<256x1xf32>
    %le3A_388 = arith.constant 1.600000e+01 : f32
    %le3A_389 = vector.broadcast %le3A_388 : f32 to vector<256x4096xf32>
    %le3A_390 = arith.cmpf ole, %concatenate3A_258, %le3A_389 : vector<256x4096xf32>
    %convert_element_type3A_391 = arith.extui %le3A_390 : vector<256x4096xi1> to vector<256x4096xi32>
    %convert_element_type3A_392 = arith.sitofp %convert_element_type3A_391 : vector<256x4096xi32> to vector<256x4096xf32>
    %reduce_sum3A_393 = arith.constant dense<0.000000e+00> : vector<256xf32>
    %reduce_sum3A_394 = vector.multi_reduction <add>, %convert_element_type3A_392, %reduce_sum3A_393 [1] : vector<256x4096xf32> to vector<256xf32>
    %broadcast_in_dim3A_395 = vector.shape_cast %reduce_sum3A_394 : vector<256xf32> to vector<256x1xf32>
    %le3A_396 = arith.constant 1.700000e+01 : f32
    %le3A_397 = vector.broadcast %le3A_396 : f32 to vector<256x4096xf32>
    %le3A_398 = arith.cmpf ole, %concatenate3A_258, %le3A_397 : vector<256x4096xf32>
    %convert_element_type3A_399 = arith.extui %le3A_398 : vector<256x4096xi1> to vector<256x4096xi32>
    %convert_element_type3A_400 = arith.sitofp %convert_element_type3A_399 : vector<256x4096xi32> to vector<256x4096xf32>
    %reduce_sum3A_401 = arith.constant dense<0.000000e+00> : vector<256xf32>
    %reduce_sum3A_402 = vector.multi_reduction <add>, %convert_element_type3A_400, %reduce_sum3A_401 [1] : vector<256x4096xf32> to vector<256xf32>
    %broadcast_in_dim3A_403 = vector.shape_cast %reduce_sum3A_402 : vector<256xf32> to vector<256x1xf32>
    %le3A_404 = arith.constant 1.800000e+01 : f32
    %le3A_405 = vector.broadcast %le3A_404 : f32 to vector<256x4096xf32>
    %le3A_406 = arith.cmpf ole, %concatenate3A_258, %le3A_405 : vector<256x4096xf32>
    %convert_element_type3A_407 = arith.extui %le3A_406 : vector<256x4096xi1> to vector<256x4096xi32>
    %convert_element_type3A_408 = arith.sitofp %convert_element_type3A_407 : vector<256x4096xi32> to vector<256x4096xf32>
    %reduce_sum3A_409 = arith.constant dense<0.000000e+00> : vector<256xf32>
    %reduce_sum3A_410 = vector.multi_reduction <add>, %convert_element_type3A_408, %reduce_sum3A_409 [1] : vector<256x4096xf32> to vector<256xf32>
    %broadcast_in_dim3A_411 = vector.shape_cast %reduce_sum3A_410 : vector<256xf32> to vector<256x1xf32>
    %le3A_412 = arith.constant 1.900000e+01 : f32
    %le3A_413 = vector.broadcast %le3A_412 : f32 to vector<256x4096xf32>
    %le3A_414 = arith.cmpf ole, %concatenate3A_258, %le3A_413 : vector<256x4096xf32>
    %convert_element_type3A_415 = arith.extui %le3A_414 : vector<256x4096xi1> to vector<256x4096xi32>
    %convert_element_type3A_416 = arith.sitofp %convert_element_type3A_415 : vector<256x4096xi32> to vector<256x4096xf32>
    %reduce_sum3A_417 = arith.constant dense<0.000000e+00> : vector<256xf32>
    %reduce_sum3A_418 = vector.multi_reduction <add>, %convert_element_type3A_416, %reduce_sum3A_417 [1] : vector<256x4096xf32> to vector<256xf32>
    %broadcast_in_dim3A_419 = vector.shape_cast %reduce_sum3A_418 : vector<256xf32> to vector<256x1xf32>
    %le3A_420 = arith.constant 2.000000e+01 : f32
    %le3A_421 = vector.broadcast %le3A_420 : f32 to vector<256x4096xf32>
    %le3A_422 = arith.cmpf ole, %concatenate3A_258, %le3A_421 : vector<256x4096xf32>
    %convert_element_type3A_423 = arith.extui %le3A_422 : vector<256x4096xi1> to vector<256x4096xi32>
    %convert_element_type3A_424 = arith.sitofp %convert_element_type3A_423 : vector<256x4096xi32> to vector<256x4096xf32>
    %reduce_sum3A_425 = arith.constant dense<0.000000e+00> : vector<256xf32>
    %reduce_sum3A_426 = vector.multi_reduction <add>, %convert_element_type3A_424, %reduce_sum3A_425 [1] : vector<256x4096xf32> to vector<256xf32>
    %broadcast_in_dim3A_427 = vector.shape_cast %reduce_sum3A_426 : vector<256xf32> to vector<256x1xf32>
    %le3A_428 = arith.constant 2.100000e+01 : f32
    %le3A_429 = vector.broadcast %le3A_428 : f32 to vector<256x4096xf32>
    %le3A_430 = arith.cmpf ole, %concatenate3A_258, %le3A_429 : vector<256x4096xf32>
    %convert_element_type3A_431 = arith.extui %le3A_430 : vector<256x4096xi1> to vector<256x4096xi32>
    %convert_element_type3A_432 = arith.sitofp %convert_element_type3A_431 : vector<256x4096xi32> to vector<256x4096xf32>
    %reduce_sum3A_433 = arith.constant dense<0.000000e+00> : vector<256xf32>
    %reduce_sum3A_434 = vector.multi_reduction <add>, %convert_element_type3A_432, %reduce_sum3A_433 [1] : vector<256x4096xf32> to vector<256xf32>
    %broadcast_in_dim3A_435 = vector.shape_cast %reduce_sum3A_434 : vector<256xf32> to vector<256x1xf32>
    %le3A_436 = arith.constant 2.200000e+01 : f32
    %le3A_437 = vector.broadcast %le3A_436 : f32 to vector<256x4096xf32>
    %le3A_438 = arith.cmpf ole, %concatenate3A_258, %le3A_437 : vector<256x4096xf32>
    %convert_element_type3A_439 = arith.extui %le3A_438 : vector<256x4096xi1> to vector<256x4096xi32>
    %convert_element_type3A_440 = arith.sitofp %convert_element_type3A_439 : vector<256x4096xi32> to vector<256x4096xf32>
    %reduce_sum3A_441 = arith.constant dense<0.000000e+00> : vector<256xf32>
    %reduce_sum3A_442 = vector.multi_reduction <add>, %convert_element_type3A_440, %reduce_sum3A_441 [1] : vector<256x4096xf32> to vector<256xf32>
    %broadcast_in_dim3A_443 = vector.shape_cast %reduce_sum3A_442 : vector<256xf32> to vector<256x1xf32>
    %le3A_444 = arith.constant 2.300000e+01 : f32
    %le3A_445 = vector.broadcast %le3A_444 : f32 to vector<256x4096xf32>
    %le3A_446 = arith.cmpf ole, %concatenate3A_258, %le3A_445 : vector<256x4096xf32>
    %convert_element_type3A_447 = arith.extui %le3A_446 : vector<256x4096xi1> to vector<256x4096xi32>
    %convert_element_type3A_448 = arith.sitofp %convert_element_type3A_447 : vector<256x4096xi32> to vector<256x4096xf32>
    %reduce_sum3A_449 = arith.constant dense<0.000000e+00> : vector<256xf32>
    %reduce_sum3A_450 = vector.multi_reduction <add>, %convert_element_type3A_448, %reduce_sum3A_449 [1] : vector<256x4096xf32> to vector<256xf32>
    %broadcast_in_dim3A_451 = vector.shape_cast %reduce_sum3A_450 : vector<256xf32> to vector<256x1xf32>
    %le3A_452 = arith.constant 2.400000e+01 : f32
    %le3A_453 = vector.broadcast %le3A_452 : f32 to vector<256x4096xf32>
    %le3A_454 = arith.cmpf ole, %concatenate3A_258, %le3A_453 : vector<256x4096xf32>
    %convert_element_type3A_455 = arith.extui %le3A_454 : vector<256x4096xi1> to vector<256x4096xi32>
    %convert_element_type3A_456 = arith.sitofp %convert_element_type3A_455 : vector<256x4096xi32> to vector<256x4096xf32>
    %reduce_sum3A_457 = arith.constant dense<0.000000e+00> : vector<256xf32>
    %reduce_sum3A_458 = vector.multi_reduction <add>, %convert_element_type3A_456, %reduce_sum3A_457 [1] : vector<256x4096xf32> to vector<256xf32>
    %broadcast_in_dim3A_459 = vector.shape_cast %reduce_sum3A_458 : vector<256xf32> to vector<256x1xf32>
    %le3A_460 = arith.constant 2.500000e+01 : f32
    %le3A_461 = vector.broadcast %le3A_460 : f32 to vector<256x4096xf32>
    %le3A_462 = arith.cmpf ole, %concatenate3A_258, %le3A_461 : vector<256x4096xf32>
    %convert_element_type3A_463 = arith.extui %le3A_462 : vector<256x4096xi1> to vector<256x4096xi32>
    %convert_element_type3A_464 = arith.sitofp %convert_element_type3A_463 : vector<256x4096xi32> to vector<256x4096xf32>
    %reduce_sum3A_465 = arith.constant dense<0.000000e+00> : vector<256xf32>
    %reduce_sum3A_466 = vector.multi_reduction <add>, %convert_element_type3A_464, %reduce_sum3A_465 [1] : vector<256x4096xf32> to vector<256xf32>
    %broadcast_in_dim3A_467 = vector.shape_cast %reduce_sum3A_466 : vector<256xf32> to vector<256x1xf32>
    %le3A_468 = arith.constant 2.600000e+01 : f32
    %le3A_469 = vector.broadcast %le3A_468 : f32 to vector<256x4096xf32>
    %le3A_470 = arith.cmpf ole, %concatenate3A_258, %le3A_469 : vector<256x4096xf32>
    %convert_element_type3A_471 = arith.extui %le3A_470 : vector<256x4096xi1> to vector<256x4096xi32>
    %convert_element_type3A_472 = arith.sitofp %convert_element_type3A_471 : vector<256x4096xi32> to vector<256x4096xf32>
    %reduce_sum3A_473 = arith.constant dense<0.000000e+00> : vector<256xf32>
    %reduce_sum3A_474 = vector.multi_reduction <add>, %convert_element_type3A_472, %reduce_sum3A_473 [1] : vector<256x4096xf32> to vector<256xf32>
    %broadcast_in_dim3A_475 = vector.shape_cast %reduce_sum3A_474 : vector<256xf32> to vector<256x1xf32>
    %le3A_476 = arith.constant 2.700000e+01 : f32
    %le3A_477 = vector.broadcast %le3A_476 : f32 to vector<256x4096xf32>
    %le3A_478 = arith.cmpf ole, %concatenate3A_258, %le3A_477 : vector<256x4096xf32>
    %convert_element_type3A_479 = arith.extui %le3A_478 : vector<256x4096xi1> to vector<256x4096xi32>
    %convert_element_type3A_480 = arith.sitofp %convert_element_type3A_479 : vector<256x4096xi32> to vector<256x4096xf32>
    %reduce_sum3A_481 = arith.constant dense<0.000000e+00> : vector<256xf32>
    %reduce_sum3A_482 = vector.multi_reduction <add>, %convert_element_type3A_480, %reduce_sum3A_481 [1] : vector<256x4096xf32> to vector<256xf32>
    %broadcast_in_dim3A_483 = vector.shape_cast %reduce_sum3A_482 : vector<256xf32> to vector<256x1xf32>
    %le3A_484 = arith.constant 2.800000e+01 : f32
    %le3A_485 = vector.broadcast %le3A_484 : f32 to vector<256x4096xf32>
    %le3A_486 = arith.cmpf ole, %concatenate3A_258, %le3A_485 : vector<256x4096xf32>
    %convert_element_type3A_487 = arith.extui %le3A_486 : vector<256x4096xi1> to vector<256x4096xi32>
    %convert_element_type3A_488 = arith.sitofp %convert_element_type3A_487 : vector<256x4096xi32> to vector<256x4096xf32>
    %reduce_sum3A_489 = arith.constant dense<0.000000e+00> : vector<256xf32>
    %reduce_sum3A_490 = vector.multi_reduction <add>, %convert_element_type3A_488, %reduce_sum3A_489 [1] : vector<256x4096xf32> to vector<256xf32>
    %broadcast_in_dim3A_491 = vector.shape_cast %reduce_sum3A_490 : vector<256xf32> to vector<256x1xf32>
    %le3A_492 = arith.constant 2.900000e+01 : f32
    %le3A_493 = vector.broadcast %le3A_492 : f32 to vector<256x4096xf32>
    %le3A_494 = arith.cmpf ole, %concatenate3A_258, %le3A_493 : vector<256x4096xf32>
    %convert_element_type3A_495 = arith.extui %le3A_494 : vector<256x4096xi1> to vector<256x4096xi32>
    %convert_element_type3A_496 = arith.sitofp %convert_element_type3A_495 : vector<256x4096xi32> to vector<256x4096xf32>
    %reduce_sum3A_497 = arith.constant dense<0.000000e+00> : vector<256xf32>
    %reduce_sum3A_498 = vector.multi_reduction <add>, %convert_element_type3A_496, %reduce_sum3A_497 [1] : vector<256x4096xf32> to vector<256xf32>
    %broadcast_in_dim3A_499 = vector.shape_cast %reduce_sum3A_498 : vector<256xf32> to vector<256x1xf32>
    %le3A_500 = arith.constant 3.000000e+01 : f32
    %le3A_501 = vector.broadcast %le3A_500 : f32 to vector<256x4096xf32>
    %le3A_502 = arith.cmpf ole, %concatenate3A_258, %le3A_501 : vector<256x4096xf32>
    %convert_element_type3A_503 = arith.extui %le3A_502 : vector<256x4096xi1> to vector<256x4096xi32>
    %convert_element_type3A_504 = arith.sitofp %convert_element_type3A_503 : vector<256x4096xi32> to vector<256x4096xf32>
    %reduce_sum3A_505 = arith.constant dense<0.000000e+00> : vector<256xf32>
    %reduce_sum3A_506 = vector.multi_reduction <add>, %convert_element_type3A_504, %reduce_sum3A_505 [1] : vector<256x4096xf32> to vector<256xf32>
    %broadcast_in_dim3A_507 = vector.shape_cast %reduce_sum3A_506 : vector<256xf32> to vector<256x1xf32>
    %le3A_508 = arith.constant 3.100000e+01 : f32
    %le3A_509 = vector.broadcast %le3A_508 : f32 to vector<256x4096xf32>
    %le3A_510 = arith.cmpf ole, %concatenate3A_258, %le3A_509 : vector<256x4096xf32>
    %convert_element_type3A_511 = arith.extui %le3A_510 : vector<256x4096xi1> to vector<256x4096xi32>
    %convert_element_type3A_512 = arith.sitofp %convert_element_type3A_511 : vector<256x4096xi32> to vector<256x4096xf32>
    %reduce_sum3A_513 = arith.constant dense<0.000000e+00> : vector<256xf32>
    %reduce_sum3A_514 = vector.multi_reduction <add>, %convert_element_type3A_512, %reduce_sum3A_513 [1] : vector<256x4096xf32> to vector<256xf32>
    %broadcast_in_dim3A_515 = vector.shape_cast %reduce_sum3A_514 : vector<256xf32> to vector<256x1xf32>
    %concatenate3A_516 = tpu.concatenate %broadcast_in_dim3A_267, %broadcast_in_dim3A_275, %broadcast_in_dim3A_283, %broadcast_in_dim3A_291, %broadcast_in_dim3A_299, %broadcast_in_dim3A_307, %broadcast_in_dim3A_315, %broadcast_in_dim3A_323, %broadcast_in_dim3A_331, %broadcast_in_dim3A_339, %broadcast_in_dim3A_347, %broadcast_in_dim3A_355, %broadcast_in_dim3A_363, %broadcast_in_dim3A_371, %broadcast_in_dim3A_379, %broadcast_in_dim3A_387, %broadcast_in_dim3A_395, %broadcast_in_dim3A_403, %broadcast_in_dim3A_411, %broadcast_in_dim3A_419, %broadcast_in_dim3A_427, %broadcast_in_dim3A_435, %broadcast_in_dim3A_443, %broadcast_in_dim3A_451, %broadcast_in_dim3A_459, %broadcast_in_dim3A_467, %broadcast_in_dim3A_475, %broadcast_in_dim3A_483, %broadcast_in_dim3A_491, %broadcast_in_dim3A_499, %broadcast_in_dim3A_507, %broadcast_in_dim3A_515 in 1 : vector<256x1xf32>, vector<256x1xf32>, vector<256x1xf32>, vector<256x1xf32>, vector<256x1xf32>, vector<256x1xf32>, vector<256x1xf32>, vector<256x1xf32>, vector<256x1xf32>, vector<256x1xf32>, vector<256x1xf32>, vector<256x1xf32>, vector<256x1xf32>, vector<256x1xf32>, vector<256x1xf32>, vector<256x1xf32>, vector<256x1xf32>, vector<256x1xf32>, vector<256x1xf32>, vector<256x1xf32>, vector<256x1xf32>, vector<256x1xf32>, vector<256x1xf32>, vector<256x1xf32>, vector<256x1xf32>, vector<256x1xf32>, vector<256x1xf32>, vector<256x1xf32>, vector<256x1xf32>, vector<256x1xf32>, vector<256x1xf32>, vector<256x1xf32> -> vector<256x32xf32>
    %convert_element_type3A_517 = arith.fptosi %concatenate3A_516 : vector<256x32xf32> to vector<256x32xi32>
    %convert_element_type3A_518 = arith.fptosi %slice3A_259 : vector<256x1xf32> to vector<256x1xi32>
    %iota3A_519 = tpu.iota {dimensions = array<i32: 1>} : vector<256x32xi32>
    %lt3A_520 = vector.broadcast %convert_element_type3A_518 : vector<256x1xi32> to vector<256x32xi32>
    %lt3A_521 = arith.cmpi slt, %iota3A_519, %lt3A_520 : vector<256x32xi32>
    %slice3A_522 = vector.extract_strided_slice %convert_element_type3A_517 {offsets = [0, 0], sizes = [256, 1], strides = [1, 1]} : vector<256x32xi32> to vector<256x1xi32>
    %broadcast_in_dim3A_523 = vector.shape_cast %slice3A_522 : vector<256x1xi32> to vector<256x1xi32>
    %broadcast_in_dim3A_524 = vector.broadcast %broadcast_in_dim3A_523 : vector<256x1xi32> to vector<256x32xi32>
    %select_n3A = arith.select %lt3A_521, %convert_element_type3A_517, %broadcast_in_dim3A_524 : vector<256x32xi1>, vector<256x32xi32>
    %mul3A_525 = arith.constant 4096 : i32
    %mul3A_526 = arith.muli %arg0, %mul3A_525 : i32
    %add3A_527 = vector.broadcast %mul3A_526 : i32 to vector<256x32xi32>
    %add3A_528 = arith.addi %select_n3A, %add3A_527 : vector<256x32xi32>
    %iota3A_529 = tpu.iota {dimensions = array<i32: 0>} : vector<32x32xi32>
    %iota3A_530 = tpu.iota {dimensions = array<i32: 1>} : vector<32x32xi32>
    %eq3A = arith.cmpi eq, %iota3A_529, %iota3A_530 : vector<32x32xi32>
    %convert_element_type3A_531 = arith.extui %eq3A : vector<32x32xi1> to vector<32x32xi32>
    %convert_element_type3A_532 = arith.sitofp %convert_element_type3A_531 : vector<32x32xi32> to vector<32x32xf32>
    %convert_element_type3A_533 = arith.sitofp %add3A_528 : vector<256x32xi32> to vector<256x32xf32>
    %dot_general3A_534 = arith.constant dense<0.000000e+00> : vector<32x256xf32>
    %dot_general3A_535 = tpu.matmul %convert_element_type3A_532, %convert_element_type3A_533, %dot_general3A_534 {dimension_numbers = #tpu.dot_dimension_numbers<[1], [1], [0], [0], [0, 0, 1, 0], [], []>, precision = #tpu.contract_precision<fp32>, transpose_lhs_hint = false} : vector<32x32xf32>, vector<256x32xf32>, vector<32x256xf32> -> vector<32x256xf32>
    %convert_element_type3A_536 = arith.fptosi %dot_general3A_535 : vector<32x256xf32> to vector<32x256xi32>
    %broadcast_in_dim3A_537 = vector.shape_cast %convert_element_type3A_536 : vector<32x256xi32> to vector<32x1x256xi32>
    %mul3A_538 = arith.constant 256 : i32
    %mul3A_539 = arith.muli %arg1, %mul3A_538 : i32
    %swap3A = arith.constant 0 : index
    %swap3A_540 = arith.index_cast %arg0 : i32 to index
    %swap3A_541 = arith.index_cast %mul3A_539 : i32 to index
    %swap3A_542 = vector.load %arg4[%swap3A, %swap3A_540, %swap3A_541] : memref<32x8x1024xi32, #tpu.memory_space<vmem>>, vector<32x1x256xi32>
    tpu.vector_store %arg4[%swap3A, %swap3A_540, %swap3A_541], %broadcast_in_dim3A_537 {strides = array<i32>} : memref<32x8x1024xi32, #tpu.memory_space<vmem>>, vector<32x1x256xi32>,
    return
  }
  func.func @transform_0(%arg0: i32, %arg1: i32) -> (i32, i32, i32) {
    %c0_i32 = arith.constant 0 : i32
    %c0_i32_0 = arith.constant 0 : i32
    %c0_i32_1 = arith.constant 0 : i32
    return %arg0, %c0_i32, %c0_i32_0 : i32, i32, i32
  }
  func.func @transform_1(%arg0: i32, %arg1: i32) -> (i32, i32, i32) {
    %c0_i32 = arith.constant 0 : i32
    %c0_i32_0 = arith.constant 0 : i32
    return %arg0, %arg1, %c0_i32 : i32, i32, i32
  }
  func.func @transform_2(%arg0: i32, %arg1: i32) -> (i32, i32, i32) {
    %c0_i32 = arith.constant 0 : i32
    %c0_i32_0 = arith.constant 0 : i32
    %c0_i32_1 = arith.constant 0 : i32
    %c0_i32_2 = arith.constant 0 : i32
    return %c0_i32, %c0_i32_0, %c0_i32_1 : i32, i32, i32
  }
}

module attributes {stable_mosaic.version = 14 : i64} {
  func.func @_cen_body(%arg0: memref<3x8192xf32, #tpu.memory_space<vmem>>, %arg1: memref<6x32xf32, #tpu.memory_space<vmem>>, %arg2: memref<32x1xf32, #tpu.memory_space<vmem>>, %arg3: memref<32x8192xf32, #tpu.memory_space<vmem>>) attributes {dimension_semantics = [], scalar_prefetch = 0 : i64, scratch_operands = 0 : i64, tpu.core_type = #tpu.core_type<tc>} {
    %get3A = arith.constant 0 : index
    %get3A_0 = arith.constant 0 : index
    %get3A_1 = vector.load %arg1[%get3A, %get3A_0] : memref<6x32xf32, #tpu.memory_space<vmem>>, vector<3x32xf32>
    %get3A_2 = arith.constant 0 : index
    %get3A_3 = arith.constant 0 : index
    %get3A_4 = vector.load %arg0[%get3A_2, %get3A_3] : memref<3x8192xf32, #tpu.memory_space<vmem>>, vector<3x8192xf32>
    %dot_general3A = arith.constant dense<0.000000e+00> : vector<32x8192xf32>
    %dot_general3A_5 = tpu.matmul %get3A_1, %get3A_4, %dot_general3A {dimension_numbers = #tpu.dot_dimension_numbers<[0], [0], [1], [1], [0, 1, 1, 1], [], []>, precision = #tpu.contract_precision<fp32>, transpose_lhs_hint = false} : vector<3x32xf32>, vector<3x8192xf32>, vector<32x8192xf32> -> vector<32x8192xf32>
    %get3A_6 = arith.constant 0 : index
    %get3A_7 = arith.constant 0 : index
    %get3A_8 = vector.load %arg2[%get3A_6, %get3A_7] : memref<32x1xf32, #tpu.memory_space<vmem>>, vector<32x1xf32>
    %sub3A = vector.broadcast %get3A_8 : vector<32x1xf32> to vector<32x8192xf32>
    %sub3A_9 = arith.subf %sub3A, %dot_general3A_5 : vector<32x8192xf32>
    %swap3A = arith.constant 0 : index
    %swap3A_10 = arith.constant 0 : index
    %swap3A_11 = vector.load %arg3[%swap3A, %swap3A_10] : memref<32x8192xf32, #tpu.memory_space<vmem>>, vector<32x8192xf32>
    tpu.vector_store %arg3[%swap3A, %swap3A_10], %sub3A_9 {strides = array<i32>} : memref<32x8192xf32, #tpu.memory_space<vmem>>, vector<32x8192xf32>,
    return
  }
}

module attributes {stable_mosaic.version = 14 : i64} {
  func.func @_b1_body(%arg0: i32, %arg1: memref<1x8192x32xf32, #tpu.memory_space<vmem>>, %arg2: memref<32x8192xf32, #tpu.memory_space<vmem>>, %arg3: memref<1x32x8192xf32, #tpu.memory_space<vmem>>, %arg4: memref<32x2xf32, #tpu.memory_space<vmem>>, %arg5: memref<32x2xf32, #tpu.memory_space<vmem>>) attributes {dimension_semantics = [#tpu.dimension_semantics<arbitrary>], iteration_bounds = array<i64: 32>, scalar_prefetch = 0 : i64, scratch_operands = 1 : i64, tpu.core_type = #tpu.core_type<tc>, window_params = [{transform_indices = @transform_0, window_bounds = array<i64: 1, 8192, 32>}, {pipeline_mode = #tpu.pipeline_mode<synchronous>, transform_indices = @transform_1, window_bounds = array<i64: 32, 8192>}, {transform_indices = @transform_2, window_bounds = array<i64: 1, 32, 8192>}, {pipeline_mode = #tpu.pipeline_mode<synchronous>, transform_indices = @transform_3, window_bounds = array<i64: 32, 2>}]} {
    %eq3A = arith.constant 0 : i32
    %eq3A_0 = arith.cmpi eq, %arg0, %eq3A : i32
    %convert_element_type3A = arith.extui %eq3A_0 : i1 to i32
    %cond3A = arith.constant 0 : i32
    %cond3A_1 = arith.cmpi ne, %convert_element_type3A, %cond3A : i32
    scf.if %cond3A_1 {
      %broadcast_in_dim3A_42 = arith.constant 0.000000e+00 : f32
      %broadcast_in_dim3A_43 = vector.broadcast %broadcast_in_dim3A_42 : f32 to vector<32x2xf32>
      %swap3A_44 = arith.constant 0 : index
      %swap3A_45 = arith.constant 0 : index
      %swap3A_46 = vector.load %arg5[%swap3A_44, %swap3A_45] : memref<32x2xf32, #tpu.memory_space<vmem>>, vector<32x2xf32>
      tpu.vector_store %arg5[%swap3A_44, %swap3A_45], %broadcast_in_dim3A_43 {strides = array<i32>} : memref<32x2xf32, #tpu.memory_space<vmem>>, vector<32x2xf32>,
    } else {
    }
    %iota3A = tpu.iota {dimensions = array<i32: 0>} : vector<32x32xi32>
    %iota3A_2 = tpu.iota {dimensions = array<i32: 1>} : vector<32x32xi32>
    %eq3A_3 = arith.cmpi eq, %iota3A, %iota3A_2 : vector<32x32xi32>
    %convert_element_type3A_4 = arith.extui %eq3A_3 : vector<32x32xi1> to vector<32x32xi32>
    %convert_element_type3A_5 = arith.sitofp %convert_element_type3A_4 : vector<32x32xi32> to vector<32x32xf32>
    %get3A = arith.constant 0 : index
    %get3A_6 = arith.constant 0 : index
    %get3A_7 = arith.constant 0 : index
    %get3A_8 = vector.load %arg1[%get3A, %get3A_6, %get3A_7] : memref<1x8192x32xf32, #tpu.memory_space<vmem>>, vector<1x8192x32xf32>
    %get3A_9 = vector.shape_cast %get3A_8 : vector<1x8192x32xf32> to vector<8192x32xf32>
    %dot_general3A = arith.constant dense<0.000000e+00> : vector<32x8192xf32>
    %dot_general3A_10 = tpu.matmul %convert_element_type3A_5, %get3A_9, %dot_general3A {dimension_numbers = #tpu.dot_dimension_numbers<[1], [1], [0], [0], [0, 0, 1, 0], [], []>, precision = #tpu.contract_precision<fp32>, transpose_lhs_hint = false} : vector<32x32xf32>, vector<8192x32xf32>, vector<32x8192xf32> -> vector<32x8192xf32>
    %get3A_11 = arith.constant 0 : index
    %get3A_12 = arith.constant 0 : index
    %get3A_13 = vector.load %arg2[%get3A_11, %get3A_12] : memref<32x8192xf32, #tpu.memory_space<vmem>>, vector<32x8192xf32>
    %add3A = arith.addf %dot_general3A_10, %get3A_13 : vector<32x8192xf32>
    %get3A_14 = arith.constant 0 : index
    %get3A_15 = arith.constant 0 : index
    %get3A_16 = vector.load %arg5[%get3A_14, %get3A_15] : memref<32x2xf32, #tpu.memory_space<vmem>>, vector<32x1xf32>
    %reduce_sum3A = arith.constant dense<0.000000e+00> : vector<32xf32>
    %reduce_sum3A_17 = vector.multi_reduction <add>, %add3A, %reduce_sum3A [1] : vector<32x8192xf32> to vector<32xf32>
    %broadcast_in_dim3A = vector.shape_cast %reduce_sum3A_17 : vector<32xf32> to vector<32x1xf32>
    %add3A_18 = arith.addf %get3A_16, %broadcast_in_dim3A : vector<32x1xf32>
    %swap3A = arith.constant 0 : index
    %swap3A_19 = arith.constant 0 : index
    %swap3A_20 = vector.load %arg5[%swap3A, %swap3A_19] : memref<32x2xf32, #tpu.memory_space<vmem>>, vector<32x1xf32>
    tpu.vector_store %arg5[%swap3A, %swap3A_19], %add3A_18 {strides = array<i32>} : memref<32x2xf32, #tpu.memory_space<vmem>>, vector<32x1xf32>,
    %get3A_21 = arith.constant 0 : index
    %get3A_22 = arith.constant 1 : index
    %get3A_23 = vector.load %arg5[%get3A_21, %get3A_22] : memref<32x2xf32, #tpu.memory_space<vmem>>, vector<32x1xf32>
    %mul3A = arith.mulf %add3A, %add3A : vector<32x8192xf32>
    %reduce_sum3A_24 = arith.constant dense<0.000000e+00> : vector<32xf32>
    %reduce_sum3A_25 = vector.multi_reduction <add>, %mul3A, %reduce_sum3A_24 [1] : vector<32x8192xf32> to vector<32xf32>
    %broadcast_in_dim3A_26 = vector.shape_cast %reduce_sum3A_25 : vector<32xf32> to vector<32x1xf32>
    %add3A_27 = arith.addf %get3A_23, %broadcast_in_dim3A_26 : vector<32x1xf32>
    %swap3A_28 = arith.constant 0 : index
    %swap3A_29 = arith.constant 1 : index
    %swap3A_30 = vector.load %arg5[%swap3A_28, %swap3A_29] : memref<32x2xf32, #tpu.memory_space<vmem>>, vector<32x1xf32>
    tpu.vector_store %arg5[%swap3A_28, %swap3A_29], %add3A_27 {strides = array<i32>} : memref<32x2xf32, #tpu.memory_space<vmem>>, vector<32x1xf32>,
    %swap3A_31 = arith.constant 0 : index
    %swap3A_32 = arith.constant 0 : index
    %swap3A_33 = arith.constant 0 : index
    %swap3A_34 = vector.load %arg3[%swap3A_31, %swap3A_32, %swap3A_33] : memref<1x32x8192xf32, #tpu.memory_space<vmem>>, vector<1x32x8192xf32>
    %swap3A_35 = vector.shape_cast %swap3A_34 : vector<1x32x8192xf32> to vector<32x8192xf32>
    %swap3A_36 = vector.shape_cast %add3A : vector<32x8192xf32> to vector<1x32x8192xf32>
    tpu.vector_store %arg3[%swap3A_31, %swap3A_32, %swap3A_33], %swap3A_36 {strides = array<i32>} : memref<1x32x8192xf32, #tpu.memory_space<vmem>>, vector<1x32x8192xf32>,
    %eq3A_37 = arith.constant 31 : i32
    %eq3A_38 = arith.cmpi eq, %arg0, %eq3A_37 : i32
    %convert_element_type3A_39 = arith.extui %eq3A_38 : i1 to i32
    %cond3A_40 = arith.constant 0 : i32
    %cond3A_41 = arith.cmpi ne, %convert_element_type3A_39, %cond3A_40 : i32
    scf.if %cond3A_41 {
      %get3A_42 = arith.constant 0 : index
      %get3A_43 = arith.constant 0 : index
      %get3A_44 = vector.load %arg5[%get3A_42, %get3A_43] : memref<32x2xf32, #tpu.memory_space<vmem>>, vector<32x2xf32>
      %swap3A_45 = arith.constant 0 : index
      %swap3A_46 = arith.constant 0 : index
      %swap3A_47 = vector.load %arg4[%swap3A_45, %swap3A_46] : memref<32x2xf32, #tpu.memory_space<vmem>>, vector<32x2xf32>
      tpu.vector_store %arg4[%swap3A_45, %swap3A_46], %get3A_44 {strides = array<i32>} : memref<32x2xf32, #tpu.memory_space<vmem>>, vector<32x2xf32>,
    } else {
    }
    return
  }
  func.func @transform_0(%arg0: i32) -> (i32, i32, i32) {
    %c0_i32 = arith.constant 0 : i32
    %c0_i32_0 = arith.constant 0 : i32
    %c0_i32_1 = arith.constant 0 : i32
    return %arg0, %c0_i32, %c0_i32_0 : i32, i32, i32
  }
  func.func @transform_1(%arg0: i32) -> (i32, i32) {
    %c0_i32 = arith.constant 0 : i32
    %c0_i32_0 = arith.constant 0 : i32
    %c0_i32_1 = arith.constant 0 : i32
    return %c0_i32, %c0_i32_0 : i32, i32
  }
  func.func @transform_2(%arg0: i32) -> (i32, i32, i32) {
    %c0_i32 = arith.constant 0 : i32
    %c0_i32_0 = arith.constant 0 : i32
    %c0_i32_1 = arith.constant 0 : i32
    return %arg0, %c0_i32, %c0_i32_0 : i32, i32, i32
  }
  func.func @transform_3(%arg0: i32) -> (i32, i32) {
    %c0_i32 = arith.constant 0 : i32
    %c0_i32_0 = arith.constant 0 : i32
    %c0_i32_1 = arith.constant 0 : i32
    return %c0_i32, %c0_i32_0 : i32, i32
  }
}

module attributes {stable_mosaic.version = 14 : i64} {
  func.func @_mid_body(%arg0: i32, %arg1: memref<1x32x8192xf32, #tpu.memory_space<vmem>>, %arg2: memref<32x2xf32, #tpu.memory_space<vmem>>, %arg3: memref<32x1xf32, #tpu.memory_space<vmem>>, %arg4: memref<32x1xf32, #tpu.memory_space<vmem>>, %arg5: memref<32x32xf32, #tpu.memory_space<vmem>>, %arg6: memref<32x1xf32, #tpu.memory_space<vmem>>, %arg7: memref<1x32x8192xf32, #tpu.memory_space<vmem>>, %arg8: memref<32x2xf32, #tpu.memory_space<vmem>>, %arg9: memref<32x2xf32, #tpu.memory_space<vmem>>) attributes {dimension_semantics = [#tpu.dimension_semantics<arbitrary>], iteration_bounds = array<i64: 32>, scalar_prefetch = 0 : i64, scratch_operands = 1 : i64, tpu.core_type = #tpu.core_type<tc>, window_params = [{transform_indices = @transform_0, window_bounds = array<i64: 1, 32, 8192>}, {pipeline_mode = #tpu.pipeline_mode<synchronous>, transform_indices = @transform_1, window_bounds = array<i64: 32, 2>}, {pipeline_mode = #tpu.pipeline_mode<synchronous>, transform_indices = @transform_2, window_bounds = array<i64: 32, 1>}, {pipeline_mode = #tpu.pipeline_mode<synchronous>, transform_indices = @transform_3, window_bounds = array<i64: 32, 1>}, {pipeline_mode = #tpu.pipeline_mode<synchronous>, transform_indices = @transform_4, window_bounds = array<i64: 32, 32>}, {pipeline_mode = #tpu.pipeline_mode<synchronous>, transform_indices = @transform_5, window_bounds = array<i64: 32, 1>}, {transform_indices = @transform_6, window_bounds = array<i64: 1, 32, 8192>}, {pipeline_mode = #tpu.pipeline_mode<synchronous>, transform_indices = @transform_7, window_bounds = array<i64: 32, 2>}]} {
    %eq3A = arith.constant 0 : i32
    %eq3A_0 = arith.cmpi eq, %arg0, %eq3A : i32
    %convert_element_type3A = arith.extui %eq3A_0 : i1 to i32
    %cond3A = arith.constant 0 : i32
    %cond3A_1 = arith.cmpi ne, %convert_element_type3A, %cond3A : i32
    scf.if %cond3A_1 {
      %broadcast_in_dim3A_73 = arith.constant 0.000000e+00 : f32
      %broadcast_in_dim3A_74 = vector.broadcast %broadcast_in_dim3A_73 : f32 to vector<32x2xf32>
      %swap3A_75 = arith.constant 0 : index
      %swap3A_76 = arith.constant 0 : index
      %swap3A_77 = vector.load %arg9[%swap3A_75, %swap3A_76] : memref<32x2xf32, #tpu.memory_space<vmem>>, vector<32x2xf32>
      tpu.vector_store %arg9[%swap3A_75, %swap3A_76], %broadcast_in_dim3A_74 {strides = array<i32>} : memref<32x2xf32, #tpu.memory_space<vmem>>, vector<32x2xf32>,
    } else {
    }
    %get3A = arith.constant 0 : index
    %get3A_2 = arith.constant 0 : index
    %get3A_3 = vector.load %arg2[%get3A, %get3A_2] : memref<32x2xf32, #tpu.memory_space<vmem>>, vector<32x1xf32>
    %mul3A = arith.constant 3.81469727E-6 : f32
    %mul3A_4 = vector.broadcast %mul3A : f32 to vector<32x1xf32>
    %mul3A_5 = arith.mulf %get3A_3, %mul3A_4 : vector<32x1xf32>
    %get3A_6 = arith.constant 0 : index
    %get3A_7 = arith.constant 1 : index
    %get3A_8 = vector.load %arg2[%get3A_6, %get3A_7] : memref<32x2xf32, #tpu.memory_space<vmem>>, vector<32x1xf32>
    %mul3A_9 = arith.constant 3.81469727E-6 : f32
    %mul3A_10 = vector.broadcast %mul3A_9 : f32 to vector<32x1xf32>
    %mul3A_11 = arith.mulf %get3A_8, %mul3A_10 : vector<32x1xf32>
    %mul3A_12 = arith.mulf %mul3A_5, %mul3A_5 : vector<32x1xf32>
    %sub3A = arith.subf %mul3A_11, %mul3A_12 : vector<32x1xf32>
    %get3A_13 = arith.constant 0 : index
    %get3A_14 = arith.constant 0 : index
    %get3A_15 = vector.load %arg3[%get3A_13, %get3A_14] : memref<32x1xf32, #tpu.memory_space<vmem>>, vector<32x1xf32>
    %add3A = arith.constant 9.99999974E-6 : f32
    %add3A_16 = vector.broadcast %add3A : f32 to vector<32x1xf32>
    %add3A_17 = arith.addf %sub3A, %add3A_16 : vector<32x1xf32>
    %rsqrt3A = math.rsqrt %add3A_17 : vector<32x1xf32>
    %mul3A_18 = arith.mulf %get3A_15, %rsqrt3A : vector<32x1xf32>
    %get3A_19 = arith.constant 0 : index
    %get3A_20 = arith.constant 0 : index
    %get3A_21 = vector.load %arg4[%get3A_19, %get3A_20] : memref<32x1xf32, #tpu.memory_space<vmem>>, vector<32x1xf32>
    %mul3A_22 = arith.mulf %mul3A_5, %mul3A_18 : vector<32x1xf32>
    %sub3A_23 = arith.subf %get3A_21, %mul3A_22 : vector<32x1xf32>
    %get3A_24 = arith.constant 0 : index
    %get3A_25 = arith.constant 0 : index
    %get3A_26 = arith.constant 0 : index
    %get3A_27 = vector.load %arg1[%get3A_24, %get3A_25, %get3A_26] : memref<1x32x8192xf32, #tpu.memory_space<vmem>>, vector<1x32x8192xf32>
    %get3A_28 = vector.shape_cast %get3A_27 : vector<1x32x8192xf32> to vector<32x8192xf32>
    %mul3A_29 = vector.broadcast %mul3A_18 : vector<32x1xf32> to vector<32x8192xf32>
    %mul3A_30 = arith.mulf %get3A_28, %mul3A_29 : vector<32x8192xf32>
    %add3A_31 = vector.broadcast %sub3A_23 : vector<32x1xf32> to vector<32x8192xf32>
    %add3A_32 = arith.addf %mul3A_30, %add3A_31 : vector<32x8192xf32>
    %max3A = arith.constant 0.000000e+00 : f32
    %max3A_33 = vector.broadcast %max3A : f32 to vector<32x8192xf32>
    %max3A_34 = arith.maximumf %add3A_32, %max3A_33 : vector<32x8192xf32>
    %get3A_35 = arith.constant 0 : index
    %get3A_36 = arith.constant 0 : index
    %get3A_37 = vector.load %arg5[%get3A_35, %get3A_36] : memref<32x32xf32, #tpu.memory_space<vmem>>, vector<32x32xf32>
    %dot_general3A = arith.constant dense<0.000000e+00> : vector<32x8192xf32>
    %dot_general3A_38 = tpu.matmul %get3A_37, %max3A_34, %dot_general3A {dimension_numbers = #tpu.dot_dimension_numbers<[0], [0], [1], [1], [0, 1, 1, 1], [], []>, precision = #tpu.contract_precision<fp32>, transpose_lhs_hint = false} : vector<32x32xf32>, vector<32x8192xf32>, vector<32x8192xf32> -> vector<32x8192xf32>
    %get3A_39 = arith.constant 0 : index
    %get3A_40 = arith.constant 0 : index
    %get3A_41 = vector.load %arg6[%get3A_39, %get3A_40] : memref<32x1xf32, #tpu.memory_space<vmem>>, vector<32x1xf32>
    %add3A_42 = vector.broadcast %get3A_41 : vector<32x1xf32> to vector<32x8192xf32>
    %add3A_43 = arith.addf %dot_general3A_38, %add3A_42 : vector<32x8192xf32>
    %get3A_44 = arith.constant 0 : index
    %get3A_45 = arith.constant 0 : index
    %get3A_46 = vector.load %arg9[%get3A_44, %get3A_45] : memref<32x2xf32, #tpu.memory_space<vmem>>, vector<32x1xf32>
    %reduce_sum3A = arith.constant dense<0.000000e+00> : vector<32xf32>
    %reduce_sum3A_47 = vector.multi_reduction <add>, %add3A_43, %reduce_sum3A [1] : vector<32x8192xf32> to vector<32xf32>
    %broadcast_in_dim3A = vector.shape_cast %reduce_sum3A_47 : vector<32xf32> to vector<32x1xf32>
    %add3A_48 = arith.addf %get3A_46, %broadcast_in_dim3A : vector<32x1xf32>
    %swap3A = arith.constant 0 : index
    %swap3A_49 = arith.constant 0 : index
    %swap3A_50 = vector.load %arg9[%swap3A, %swap3A_49] : memref<32x2xf32, #tpu.memory_space<vmem>>, vector<32x1xf32>
    tpu.vector_store %arg9[%swap3A, %swap3A_49], %add3A_48 {strides = array<i32>} : memref<32x2xf32, #tpu.memory_space<vmem>>, vector<32x1xf32>,
    %get3A_51 = arith.constant 0 : index
    %get3A_52 = arith.constant 1 : index
    %get3A_53 = vector.load %arg9[%get3A_51, %get3A_52] : memref<32x2xf32, #tpu.memory_space<vmem>>, vector<32x1xf32>
    %mul3A_54 = arith.mulf %add3A_43, %add3A_43 : vector<32x8192xf32>
    %reduce_sum3A_55 = arith.constant dense<0.000000e+00> : vector<32xf32>
    %reduce_sum3A_56 = vector.multi_reduction <add>, %mul3A_54, %reduce_sum3A_55 [1] : vector<32x8192xf32> to vector<32xf32>
    %broadcast_in_dim3A_57 = vector.shape_cast %reduce_sum3A_56 : vector<32xf32> to vector<32x1xf32>
    %add3A_58 = arith.addf %get3A_53, %broadcast_in_dim3A_57 : vector<32x1xf32>
    %swap3A_59 = arith.constant 0 : index
    %swap3A_60 = arith.constant 1 : index
    %swap3A_61 = vector.load %arg9[%swap3A_59, %swap3A_60] : memref<32x2xf32, #tpu.memory_space<vmem>>, vector<32x1xf32>
    tpu.vector_store %arg9[%swap3A_59, %swap3A_60], %add3A_58 {strides = array<i32>} : memref<32x2xf32, #tpu.memory_space<vmem>>, vector<32x1xf32>,
    %swap3A_62 = arith.constant 0 : index
    %swap3A_63 = arith.constant 0 : index
    %swap3A_64 = arith.constant 0 : index
    %swap3A_65 = vector.load %arg7[%swap3A_62, %swap3A_63, %swap3A_64] : memref<1x32x8192xf32, #tpu.memory_space<vmem>>, vector<1x32x8192xf32>
    %swap3A_66 = vector.shape_cast %swap3A_65 : vector<1x32x8192xf32> to vector<32x8192xf32>
    %swap3A_67 = vector.shape_cast %add3A_43 : vector<32x8192xf32> to vector<1x32x8192xf32>
    tpu.vector_store %arg7[%swap3A_62, %swap3A_63, %swap3A_64], %swap3A_67 {strides = array<i32>} : memref<1x32x8192xf32, #tpu.memory_space<vmem>>, vector<1x32x8192xf32>,
    %eq3A_68 = arith.constant 31 : i32
    %eq3A_69 = arith.cmpi eq, %arg0, %eq3A_68 : i32
    %convert_element_type3A_70 = arith.extui %eq3A_69 : i1 to i32
    %cond3A_71 = arith.constant 0 : i32
    %cond3A_72 = arith.cmpi ne, %convert_element_type3A_70, %cond3A_71 : i32
    scf.if %cond3A_72 {
      %get3A_73 = arith.constant 0 : index
      %get3A_74 = arith.constant 0 : index
      %get3A_75 = vector.load %arg9[%get3A_73, %get3A_74] : memref<32x2xf32, #tpu.memory_space<vmem>>, vector<32x2xf32>
      %swap3A_76 = arith.constant 0 : index
      %swap3A_77 = arith.constant 0 : index
      %swap3A_78 = vector.load %arg8[%swap3A_76, %swap3A_77] : memref<32x2xf32, #tpu.memory_space<vmem>>, vector<32x2xf32>
      tpu.vector_store %arg8[%swap3A_76, %swap3A_77], %get3A_75 {strides = array<i32>} : memref<32x2xf32, #tpu.memory_space<vmem>>, vector<32x2xf32>,
    } else {
    }
    return
  }
  func.func @transform_0(%arg0: i32) -> (i32, i32, i32) {
    %c0_i32 = arith.constant 0 : i32
    %c0_i32_0 = arith.constant 0 : i32
    %c0_i32_1 = arith.constant 0 : i32
    return %arg0, %c0_i32, %c0_i32_0 : i32, i32, i32
  }
  func.func @transform_1(%arg0: i32) -> (i32, i32) {
    %c0_i32 = arith.constant 0 : i32
    %c0_i32_0 = arith.constant 0 : i32
    %c0_i32_1 = arith.constant 0 : i32
    return %c0_i32, %c0_i32_0 : i32, i32
  }
  func.func @transform_2(%arg0: i32) -> (i32, i32) {
    %c0_i32 = arith.constant 0 : i32
    %c0_i32_0 = arith.constant 0 : i32
    %c0_i32_1 = arith.constant 0 : i32
    return %c0_i32, %c0_i32_0 : i32, i32
  }
  func.func @transform_3(%arg0: i32) -> (i32, i32) {
    %c0_i32 = arith.constant 0 : i32
    %c0_i32_0 = arith.constant 0 : i32
    %c0_i32_1 = arith.constant 0 : i32
    return %c0_i32, %c0_i32_0 : i32, i32
  }
  func.func @transform_4(%arg0: i32) -> (i32, i32) {
    %c0_i32 = arith.constant 0 : i32
    %c0_i32_0 = arith.constant 0 : i32
    %c0_i32_1 = arith.constant 0 : i32
    return %c0_i32, %c0_i32_0 : i32, i32
  }
  func.func @transform_5(%arg0: i32) -> (i32, i32) {
    %c0_i32 = arith.constant 0 : i32
    %c0_i32_0 = arith.constant 0 : i32
    %c0_i32_1 = arith.constant 0 : i32
    return %c0_i32, %c0_i32_0 : i32, i32
  }
  func.func @transform_6(%arg0: i32) -> (i32, i32, i32) {
    %c0_i32 = arith.constant 0 : i32
    %c0_i32_0 = arith.constant 0 : i32
    %c0_i32_1 = arith.constant 0 : i32
    return %arg0, %c0_i32, %c0_i32_0 : i32, i32, i32
  }
  func.func @transform_7(%arg0: i32) -> (i32, i32) {
    %c0_i32 = arith.constant 0 : i32
    %c0_i32_0 = arith.constant 0 : i32
    %c0_i32_1 = arith.constant 0 : i32
    return %c0_i32, %c0_i32_0 : i32, i32
  }
}

module attributes {stable_mosaic.version = 14 : i64} {
  func.func @_mid_body(%arg0: i32, %arg1: memref<1x32x8192xf32, #tpu.memory_space<vmem>>, %arg2: memref<32x2xf32, #tpu.memory_space<vmem>>, %arg3: memref<32x1xf32, #tpu.memory_space<vmem>>, %arg4: memref<32x1xf32, #tpu.memory_space<vmem>>, %arg5: memref<32x64xf32, #tpu.memory_space<vmem>>, %arg6: memref<64x1xf32, #tpu.memory_space<vmem>>, %arg7: memref<1x64x8192xf32, #tpu.memory_space<vmem>>, %arg8: memref<64x2xf32, #tpu.memory_space<vmem>>, %arg9: memref<64x2xf32, #tpu.memory_space<vmem>>) attributes {dimension_semantics = [#tpu.dimension_semantics<arbitrary>], iteration_bounds = array<i64: 32>, scalar_prefetch = 0 : i64, scratch_operands = 1 : i64, tpu.core_type = #tpu.core_type<tc>, window_params = [{transform_indices = @transform_0, window_bounds = array<i64: 1, 32, 8192>}, {pipeline_mode = #tpu.pipeline_mode<synchronous>, transform_indices = @transform_1, window_bounds = array<i64: 32, 2>}, {pipeline_mode = #tpu.pipeline_mode<synchronous>, transform_indices = @transform_2, window_bounds = array<i64: 32, 1>}, {pipeline_mode = #tpu.pipeline_mode<synchronous>, transform_indices = @transform_3, window_bounds = array<i64: 32, 1>}, {pipeline_mode = #tpu.pipeline_mode<synchronous>, transform_indices = @transform_4, window_bounds = array<i64: 32, 64>}, {pipeline_mode = #tpu.pipeline_mode<synchronous>, transform_indices = @transform_5, window_bounds = array<i64: 64, 1>}, {transform_indices = @transform_6, window_bounds = array<i64: 1, 64, 8192>}, {pipeline_mode = #tpu.pipeline_mode<synchronous>, transform_indices = @transform_7, window_bounds = array<i64: 64, 2>}]} {
    %eq3A = arith.constant 0 : i32
    %eq3A_0 = arith.cmpi eq, %arg0, %eq3A : i32
    %convert_element_type3A = arith.extui %eq3A_0 : i1 to i32
    %cond3A = arith.constant 0 : i32
    %cond3A_1 = arith.cmpi ne, %convert_element_type3A, %cond3A : i32
    scf.if %cond3A_1 {
      %broadcast_in_dim3A_73 = arith.constant 0.000000e+00 : f32
      %broadcast_in_dim3A_74 = vector.broadcast %broadcast_in_dim3A_73 : f32 to vector<64x2xf32>
      %swap3A_75 = arith.constant 0 : index
      %swap3A_76 = arith.constant 0 : index
      %swap3A_77 = vector.load %arg9[%swap3A_75, %swap3A_76] : memref<64x2xf32, #tpu.memory_space<vmem>>, vector<64x2xf32>
      tpu.vector_store %arg9[%swap3A_75, %swap3A_76], %broadcast_in_dim3A_74 {strides = array<i32>} : memref<64x2xf32, #tpu.memory_space<vmem>>, vector<64x2xf32>,
    } else {
    }
    %get3A = arith.constant 0 : index
    %get3A_2 = arith.constant 0 : index
    %get3A_3 = vector.load %arg2[%get3A, %get3A_2] : memref<32x2xf32, #tpu.memory_space<vmem>>, vector<32x1xf32>
    %mul3A = arith.constant 3.81469727E-6 : f32
    %mul3A_4 = vector.broadcast %mul3A : f32 to vector<32x1xf32>
    %mul3A_5 = arith.mulf %get3A_3, %mul3A_4 : vector<32x1xf32>
    %get3A_6 = arith.constant 0 : index
    %get3A_7 = arith.constant 1 : index
    %get3A_8 = vector.load %arg2[%get3A_6, %get3A_7] : memref<32x2xf32, #tpu.memory_space<vmem>>, vector<32x1xf32>
    %mul3A_9 = arith.constant 3.81469727E-6 : f32
    %mul3A_10 = vector.broadcast %mul3A_9 : f32 to vector<32x1xf32>
    %mul3A_11 = arith.mulf %get3A_8, %mul3A_10 : vector<32x1xf32>
    %mul3A_12 = arith.mulf %mul3A_5, %mul3A_5 : vector<32x1xf32>
    %sub3A = arith.subf %mul3A_11, %mul3A_12 : vector<32x1xf32>
    %get3A_13 = arith.constant 0 : index
    %get3A_14 = arith.constant 0 : index
    %get3A_15 = vector.load %arg3[%get3A_13, %get3A_14] : memref<32x1xf32, #tpu.memory_space<vmem>>, vector<32x1xf32>
    %add3A = arith.constant 9.99999974E-6 : f32
    %add3A_16 = vector.broadcast %add3A : f32 to vector<32x1xf32>
    %add3A_17 = arith.addf %sub3A, %add3A_16 : vector<32x1xf32>
    %rsqrt3A = math.rsqrt %add3A_17 : vector<32x1xf32>
    %mul3A_18 = arith.mulf %get3A_15, %rsqrt3A : vector<32x1xf32>
    %get3A_19 = arith.constant 0 : index
    %get3A_20 = arith.constant 0 : index
    %get3A_21 = vector.load %arg4[%get3A_19, %get3A_20] : memref<32x1xf32, #tpu.memory_space<vmem>>, vector<32x1xf32>
    %mul3A_22 = arith.mulf %mul3A_5, %mul3A_18 : vector<32x1xf32>
    %sub3A_23 = arith.subf %get3A_21, %mul3A_22 : vector<32x1xf32>
    %get3A_24 = arith.constant 0 : index
    %get3A_25 = arith.constant 0 : index
    %get3A_26 = arith.constant 0 : index
    %get3A_27 = vector.load %arg1[%get3A_24, %get3A_25, %get3A_26] : memref<1x32x8192xf32, #tpu.memory_space<vmem>>, vector<1x32x8192xf32>
    %get3A_28 = vector.shape_cast %get3A_27 : vector<1x32x8192xf32> to vector<32x8192xf32>
    %mul3A_29 = vector.broadcast %mul3A_18 : vector<32x1xf32> to vector<32x8192xf32>
    %mul3A_30 = arith.mulf %get3A_28, %mul3A_29 : vector<32x8192xf32>
    %add3A_31 = vector.broadcast %sub3A_23 : vector<32x1xf32> to vector<32x8192xf32>
    %add3A_32 = arith.addf %mul3A_30, %add3A_31 : vector<32x8192xf32>
    %max3A = arith.constant 0.000000e+00 : f32
    %max3A_33 = vector.broadcast %max3A : f32 to vector<32x8192xf32>
    %max3A_34 = arith.maximumf %add3A_32, %max3A_33 : vector<32x8192xf32>
    %get3A_35 = arith.constant 0 : index
    %get3A_36 = arith.constant 0 : index
    %get3A_37 = vector.load %arg5[%get3A_35, %get3A_36] : memref<32x64xf32, #tpu.memory_space<vmem>>, vector<32x64xf32>
    %dot_general3A = arith.constant dense<0.000000e+00> : vector<64x8192xf32>
    %dot_general3A_38 = tpu.matmul %get3A_37, %max3A_34, %dot_general3A {dimension_numbers = #tpu.dot_dimension_numbers<[0], [0], [1], [1], [0, 1, 1, 1], [], []>, precision = #tpu.contract_precision<fp32>, transpose_lhs_hint = false} : vector<32x64xf32>, vector<32x8192xf32>, vector<64x8192xf32> -> vector<64x8192xf32>
    %get3A_39 = arith.constant 0 : index
    %get3A_40 = arith.constant 0 : index
    %get3A_41 = vector.load %arg6[%get3A_39, %get3A_40] : memref<64x1xf32, #tpu.memory_space<vmem>>, vector<64x1xf32>
    %add3A_42 = vector.broadcast %get3A_41 : vector<64x1xf32> to vector<64x8192xf32>
    %add3A_43 = arith.addf %dot_general3A_38, %add3A_42 : vector<64x8192xf32>
    %get3A_44 = arith.constant 0 : index
    %get3A_45 = arith.constant 0 : index
    %get3A_46 = vector.load %arg9[%get3A_44, %get3A_45] : memref<64x2xf32, #tpu.memory_space<vmem>>, vector<64x1xf32>
    %reduce_sum3A = arith.constant dense<0.000000e+00> : vector<64xf32>
    %reduce_sum3A_47 = vector.multi_reduction <add>, %add3A_43, %reduce_sum3A [1] : vector<64x8192xf32> to vector<64xf32>
    %broadcast_in_dim3A = vector.shape_cast %reduce_sum3A_47 : vector<64xf32> to vector<64x1xf32>
    %add3A_48 = arith.addf %get3A_46, %broadcast_in_dim3A : vector<64x1xf32>
    %swap3A = arith.constant 0 : index
    %swap3A_49 = arith.constant 0 : index
    %swap3A_50 = vector.load %arg9[%swap3A, %swap3A_49] : memref<64x2xf32, #tpu.memory_space<vmem>>, vector<64x1xf32>
    tpu.vector_store %arg9[%swap3A, %swap3A_49], %add3A_48 {strides = array<i32>} : memref<64x2xf32, #tpu.memory_space<vmem>>, vector<64x1xf32>,
    %get3A_51 = arith.constant 0 : index
    %get3A_52 = arith.constant 1 : index
    %get3A_53 = vector.load %arg9[%get3A_51, %get3A_52] : memref<64x2xf32, #tpu.memory_space<vmem>>, vector<64x1xf32>
    %mul3A_54 = arith.mulf %add3A_43, %add3A_43 : vector<64x8192xf32>
    %reduce_sum3A_55 = arith.constant dense<0.000000e+00> : vector<64xf32>
    %reduce_sum3A_56 = vector.multi_reduction <add>, %mul3A_54, %reduce_sum3A_55 [1] : vector<64x8192xf32> to vector<64xf32>
    %broadcast_in_dim3A_57 = vector.shape_cast %reduce_sum3A_56 : vector<64xf32> to vector<64x1xf32>
    %add3A_58 = arith.addf %get3A_53, %broadcast_in_dim3A_57 : vector<64x1xf32>
    %swap3A_59 = arith.constant 0 : index
    %swap3A_60 = arith.constant 1 : index
    %swap3A_61 = vector.load %arg9[%swap3A_59, %swap3A_60] : memref<64x2xf32, #tpu.memory_space<vmem>>, vector<64x1xf32>
    tpu.vector_store %arg9[%swap3A_59, %swap3A_60], %add3A_58 {strides = array<i32>} : memref<64x2xf32, #tpu.memory_space<vmem>>, vector<64x1xf32>,
    %swap3A_62 = arith.constant 0 : index
    %swap3A_63 = arith.constant 0 : index
    %swap3A_64 = arith.constant 0 : index
    %swap3A_65 = vector.load %arg7[%swap3A_62, %swap3A_63, %swap3A_64] : memref<1x64x8192xf32, #tpu.memory_space<vmem>>, vector<1x64x8192xf32>
    %swap3A_66 = vector.shape_cast %swap3A_65 : vector<1x64x8192xf32> to vector<64x8192xf32>
    %swap3A_67 = vector.shape_cast %add3A_43 : vector<64x8192xf32> to vector<1x64x8192xf32>
    tpu.vector_store %arg7[%swap3A_62, %swap3A_63, %swap3A_64], %swap3A_67 {strides = array<i32>} : memref<1x64x8192xf32, #tpu.memory_space<vmem>>, vector<1x64x8192xf32>,
    %eq3A_68 = arith.constant 31 : i32
    %eq3A_69 = arith.cmpi eq, %arg0, %eq3A_68 : i32
    %convert_element_type3A_70 = arith.extui %eq3A_69 : i1 to i32
    %cond3A_71 = arith.constant 0 : i32
    %cond3A_72 = arith.cmpi ne, %convert_element_type3A_70, %cond3A_71 : i32
    scf.if %cond3A_72 {
      %get3A_73 = arith.constant 0 : index
      %get3A_74 = arith.constant 0 : index
      %get3A_75 = vector.load %arg9[%get3A_73, %get3A_74] : memref<64x2xf32, #tpu.memory_space<vmem>>, vector<64x2xf32>
      %swap3A_76 = arith.constant 0 : index
      %swap3A_77 = arith.constant 0 : index
      %swap3A_78 = vector.load %arg8[%swap3A_76, %swap3A_77] : memref<64x2xf32, #tpu.memory_space<vmem>>, vector<64x2xf32>
      tpu.vector_store %arg8[%swap3A_76, %swap3A_77], %get3A_75 {strides = array<i32>} : memref<64x2xf32, #tpu.memory_space<vmem>>, vector<64x2xf32>,
    } else {
    }
    return
  }
  func.func @transform_0(%arg0: i32) -> (i32, i32, i32) {
    %c0_i32 = arith.constant 0 : i32
    %c0_i32_0 = arith.constant 0 : i32
    %c0_i32_1 = arith.constant 0 : i32
    return %arg0, %c0_i32, %c0_i32_0 : i32, i32, i32
  }
  func.func @transform_1(%arg0: i32) -> (i32, i32) {
    %c0_i32 = arith.constant 0 : i32
    %c0_i32_0 = arith.constant 0 : i32
    %c0_i32_1 = arith.constant 0 : i32
    return %c0_i32, %c0_i32_0 : i32, i32
  }
  func.func @transform_2(%arg0: i32) -> (i32, i32) {
    %c0_i32 = arith.constant 0 : i32
    %c0_i32_0 = arith.constant 0 : i32
    %c0_i32_1 = arith.constant 0 : i32
    return %c0_i32, %c0_i32_0 : i32, i32
  }
  func.func @transform_3(%arg0: i32) -> (i32, i32) {
    %c0_i32 = arith.constant 0 : i32
    %c0_i32_0 = arith.constant 0 : i32
    %c0_i32_1 = arith.constant 0 : i32
    return %c0_i32, %c0_i32_0 : i32, i32
  }
  func.func @transform_4(%arg0: i32) -> (i32, i32) {
    %c0_i32 = arith.constant 0 : i32
    %c0_i32_0 = arith.constant 0 : i32
    %c0_i32_1 = arith.constant 0 : i32
    return %c0_i32, %c0_i32_0 : i32, i32
  }
  func.func @transform_5(%arg0: i32) -> (i32, i32) {
    %c0_i32 = arith.constant 0 : i32
    %c0_i32_0 = arith.constant 0 : i32
    %c0_i32_1 = arith.constant 0 : i32
    return %c0_i32, %c0_i32_0 : i32, i32
  }
  func.func @transform_6(%arg0: i32) -> (i32, i32, i32) {
    %c0_i32 = arith.constant 0 : i32
    %c0_i32_0 = arith.constant 0 : i32
    %c0_i32_1 = arith.constant 0 : i32
    return %arg0, %c0_i32, %c0_i32_0 : i32, i32, i32
  }
  func.func @transform_7(%arg0: i32) -> (i32, i32) {
    %c0_i32 = arith.constant 0 : i32
    %c0_i32_0 = arith.constant 0 : i32
    %c0_i32_1 = arith.constant 0 : i32
    return %c0_i32, %c0_i32_0 : i32, i32
  }
}

module attributes {stable_mosaic.version = 14 : i64} {
  func.func @_fin_body(%arg0: i32, %arg1: memref<32x64x1024xf32, #tpu.memory_space<vmem>>, %arg2: memref<64x2xf32, #tpu.memory_space<vmem>>, %arg3: memref<64x1xf32, #tpu.memory_space<vmem>>, %arg4: memref<64x1xf32, #tpu.memory_space<vmem>>, %arg5: memref<1x64x1024xf32, #tpu.memory_space<vmem>>) attributes {dimension_semantics = [#tpu.dimension_semantics<arbitrary>], iteration_bounds = array<i64: 8>, scalar_prefetch = 0 : i64, scratch_operands = 0 : i64, tpu.core_type = #tpu.core_type<tc>, window_params = [{transform_indices = @transform_0, window_bounds = array<i64: 32, 64, 1024>}, {pipeline_mode = #tpu.pipeline_mode<synchronous>, transform_indices = @transform_1, window_bounds = array<i64: 64, 2>}, {pipeline_mode = #tpu.pipeline_mode<synchronous>, transform_indices = @transform_2, window_bounds = array<i64: 64, 1>}, {pipeline_mode = #tpu.pipeline_mode<synchronous>, transform_indices = @transform_3, window_bounds = array<i64: 64, 1>}, {transform_indices = @transform_4, window_bounds = array<i64: 1, 64, 1024>}]} {
    %get3A = arith.constant 0 : index
    %get3A_0 = arith.constant 0 : index
    %get3A_1 = vector.load %arg2[%get3A, %get3A_0] : memref<64x2xf32, #tpu.memory_space<vmem>>, vector<64x1xf32>
    %mul3A = arith.constant 3.81469727E-6 : f32
    %mul3A_2 = vector.broadcast %mul3A : f32 to vector<64x1xf32>
    %mul3A_3 = arith.mulf %get3A_1, %mul3A_2 : vector<64x1xf32>
    %get3A_4 = arith.constant 0 : index
    %get3A_5 = arith.constant 1 : index
    %get3A_6 = vector.load %arg2[%get3A_4, %get3A_5] : memref<64x2xf32, #tpu.memory_space<vmem>>, vector<64x1xf32>
    %mul3A_7 = arith.constant 3.81469727E-6 : f32
    %mul3A_8 = vector.broadcast %mul3A_7 : f32 to vector<64x1xf32>
    %mul3A_9 = arith.mulf %get3A_6, %mul3A_8 : vector<64x1xf32>
    %mul3A_10 = arith.mulf %mul3A_3, %mul3A_3 : vector<64x1xf32>
    %sub3A = arith.subf %mul3A_9, %mul3A_10 : vector<64x1xf32>
    %get3A_11 = arith.constant 0 : index
    %get3A_12 = arith.constant 0 : index
    %get3A_13 = vector.load %arg3[%get3A_11, %get3A_12] : memref<64x1xf32, #tpu.memory_space<vmem>>, vector<64x1xf32>
    %add3A = arith.constant 9.99999974E-6 : f32
    %add3A_14 = vector.broadcast %add3A : f32 to vector<64x1xf32>
    %add3A_15 = arith.addf %sub3A, %add3A_14 : vector<64x1xf32>
    %rsqrt3A = math.rsqrt %add3A_15 : vector<64x1xf32>
    %mul3A_16 = arith.mulf %get3A_13, %rsqrt3A : vector<64x1xf32>
    %get3A_17 = arith.constant 0 : index
    %get3A_18 = arith.constant 0 : index
    %get3A_19 = vector.load %arg4[%get3A_17, %get3A_18] : memref<64x1xf32, #tpu.memory_space<vmem>>, vector<64x1xf32>
    %mul3A_20 = arith.mulf %mul3A_3, %mul3A_16 : vector<64x1xf32>
    %sub3A_21 = arith.subf %get3A_19, %mul3A_20 : vector<64x1xf32>
    %get3A_22 = arith.constant 0 : index
    %get3A_23 = arith.constant 0 : index
    %get3A_24 = arith.constant 0 : index
    %get3A_25 = vector.load %arg1[%get3A_22, %get3A_23, %get3A_24] : memref<32x64x1024xf32, #tpu.memory_space<vmem>>, vector<32x64x1024xf32>
    %broadcast_in_dim3A = vector.shape_cast %mul3A_16 : vector<64x1xf32> to vector<1x64x1xf32>
    %mul3A_26 = vector.broadcast %broadcast_in_dim3A : vector<1x64x1xf32> to vector<32x64x1024xf32>
    %mul3A_27 = arith.mulf %get3A_25, %mul3A_26 : vector<32x64x1024xf32>
    %broadcast_in_dim3A_28 = vector.shape_cast %sub3A_21 : vector<64x1xf32> to vector<1x64x1xf32>
    %add3A_29 = vector.broadcast %broadcast_in_dim3A_28 : vector<1x64x1xf32> to vector<32x64x1024xf32>
    %add3A_30 = arith.addf %mul3A_27, %add3A_29 : vector<32x64x1024xf32>
    %max3A = arith.constant 0.000000e+00 : f32
    %max3A_31 = vector.broadcast %max3A : f32 to vector<32x64x1024xf32>
    %max3A_32 = arith.maximumf %add3A_30, %max3A_31 : vector<32x64x1024xf32>
    %reduce_max3A = arith.constant dense<0xFF800000> : vector<64x1024xf32>
    %reduce_max3A_33 = vector.multi_reduction <maximumf>, %max3A_32, %reduce_max3A [0] : vector<32x64x1024xf32> to vector<64x1024xf32>
    %swap3A = arith.constant 0 : index
    %swap3A_34 = arith.constant 0 : index
    %swap3A_35 = arith.constant 0 : index
    %swap3A_36 = vector.load %arg5[%swap3A, %swap3A_34, %swap3A_35] : memref<1x64x1024xf32, #tpu.memory_space<vmem>>, vector<1x64x1024xf32>
    %swap3A_37 = vector.shape_cast %swap3A_36 : vector<1x64x1024xf32> to vector<64x1024xf32>
    %swap3A_38 = vector.shape_cast %reduce_max3A_33 : vector<64x1024xf32> to vector<1x64x1024xf32>
    tpu.vector_store %arg5[%swap3A, %swap3A_34, %swap3A_35], %swap3A_38 {strides = array<i32>} : memref<1x64x1024xf32, #tpu.memory_space<vmem>>, vector<1x64x1024xf32>,
    return
  }
  func.func @transform_0(%arg0: i32) -> (i32, i32, i32) {
    %c0_i32 = arith.constant 0 : i32
    %c0_i32_0 = arith.constant 0 : i32
    %c0_i32_1 = arith.constant 0 : i32
    return %c0_i32, %c0_i32_0, %arg0 : i32, i32, i32
  }
  func.func @transform_1(%arg0: i32) -> (i32, i32) {
    %c0_i32 = arith.constant 0 : i32
    %c0_i32_0 = arith.constant 0 : i32
    %c0_i32_1 = arith.constant 0 : i32
    return %c0_i32, %c0_i32_0 : i32, i32
  }
  func.func @transform_2(%arg0: i32) -> (i32, i32) {
    %c0_i32 = arith.constant 0 : i32
    %c0_i32_0 = arith.constant 0 : i32
    %c0_i32_1 = arith.constant 0 : i32
    return %c0_i32, %c0_i32_0 : i32, i32
  }
  func.func @transform_3(%arg0: i32) -> (i32, i32) {
    %c0_i32 = arith.constant 0 : i32
    %c0_i32_0 = arith.constant 0 : i32
    %c0_i32_1 = arith.constant 0 : i32
    return %c0_i32, %c0_i32_0 : i32, i32
  }
  func.func @transform_4(%arg0: i32) -> (i32, i32, i32) {
    %c0_i32 = arith.constant 0 : i32
    %c0_i32_0 = arith.constant 0 : i32
    %c0_i32_1 = arith.constant 0 : i32
    return %arg0, %c0_i32, %c0_i32_0 : i32, i32, i32
  }
}

</mosaic_0001>

<sc_bundles>
// kernel: kernel.11.cloned.1.call-start
scs
__scs_entry_jumppad:
0x0: {  	(pc) =	sbr.rel $0x88, $3  }
0x1: {  	(tag) =	ssettag $0x0;
	lr =	simm.s32 $0x1  }
0x2: {  	[smem:$0x3F93] =	sst lr;
	_ =	strace $0xD0000000  }
0x3: {  	_ = 	snop  }
0x4: {  	_ = 	snop  }
0x5: {  	_ = 	snop  }
0x6: {  	_ = 	snop  }
0x7: {  	_ = 	snop  }
__scs_overlays_trampoline_lowered:
0x8: {  	[smem:$0x3FA2] =	sst s0  }
0x9: {  	[smem:$0x3FA3] =	sst s1  }
0xa: {  	[smem:$0x3FA4] =	sst s2  }
0xb: {  	[smem:$0x3FA5] =	sst s3  }
0xc: {  	[smem:$0x3FA6] =	sst s4  }
0xd: {  	[smem:$0x3FA7] =	sst s5  }
0xe: {  	[smem:$0x3FA8] =	sst s6  }
0xf: {  	[smem:$0x3FA9] =	sst s7  }
0x10: {  	[smem:$0x3FAA] =	sst s8  }
0x11: {  	[smem:$0x3FAB] =	sst s9;
	s0 =	simm.s32 @!p0 $0x0  }
0x12: {  	s1 =	sld [smem:$0x3F91];
	s0 =	simm.s32 @p0 $0x1  }
0x13: {  	[smem:$0x3FAC] =	sst s0;
	s0 =	simm.s32 @!p1 $0x0  }
0x14: {  	s2 =	sld [smem:$0x3F90];
	s0 =	simm.s32 @p1 $0x1  }
0x15: {  	[smem:$0x3FAD] =	sst s0;
	s0 =	simm.s32 @!p2 $0x0  }
0x16: {  	s3 =	sld [smem:$0x3FDB];
	s0 =	simm.s32 @p2 $0x1  }
0x17: {  	s4 =	simm.s32 $0x1BF5;
	[smem:$0x3FAF] =	sst s0  }
0x18: {  	s0 =	sld [smem:$0x3F92];
	_ =	swait.ge [sflag:s4], $0x0  }
0x19: {  	s7 =	sld [smem:$0x3F93]  }
0x1a: {  	s8 =	sadd.s32 $0xFFFFE003, lr  }
0x1b: {  	s9 =	sadd.s32 $0xFFFFFEF7, lr;
	s5 =	simm.s32 $0xFFFFFFFF;
	p2 =	slt.u32 s8, $0xFFFFF086  }
0x1c: {  	p1 =	slt.u32 s9, $0xF7A;
	s5 =	simm.s32 @!p2 $0x0  }
0x1d: {  	s5 =	simm.s32 @p1 $0x1;
	p0 =	seq.s32 s7, s2  }
0x1e: {  	s7 =	smul.u32 @!p0 $0xF7A, s2;
	p2 =	seq.s32 @!p0 s5, $0x0  }
0x1f: {  	s9 =	smul.u32 $0xF7A, s1;
	s8 =	simm.s32 @!p0 $0x1BF5;
	p2 =	por !p2, p0  }
0x20: {  	[sflag:s8] =	ssyncset.s32 @!p0 $0xFFFFF086;
	s6 =	sadd.s32 @!p0 s3, s7;
	s7 =	simm.s32 @!p0 $0x108  }
0x21: {  	s3 =	sadd.s32 s3, s9;
	s6 =	sadd.s32 @!p0 $0x88, s6;
	s7 =	simm.s32 @p2 $0x1082  }
0x22: {  	[simem:s7], [sflag:s8] =	dma.local @!p0 [hbm:s6], $0xF7A  }
0x23: {  	s9 =	sor.u32 $0xD0000000, s2;
	s6 =	simm.s32 $0x108;
	_ =	swait.ge @!p0 [sflag:s8], $0x0  }
0x24: {  	s3 =	sadd.s32 $0x88, s3;
	s6 =	simm.s32 @!p1 $0x1082;
	[sflag:s4] =	ssyncset.s32 $0xFFFFF086  }
0x25: {  	[simem:s6], [sflag:s4] =	dma.local [hbm:s3], $0xF7A  }
0x26: {  	[smem:$0x3F93] =	sst s1;
	(tag) =	ssettag s2;
	_ =	strace s9  }
0x27: {  	s1 =	sld [smem:$0x3FA3]  }
0x28: {  	s2 =	sld [smem:$0x3FA4]  }
0x29: {  	s4 =	sld [smem:$0x3FA6]  }
0x2a: {  	p0 =	seq.s32 s5, $0x0;
	s5 =	sld [smem:$0x3FA7]  }
0x2b: {  	s6 =	sld [smem:$0x3FA8]  }
0x2c: {  	s7 =	sld [smem:$0x3FA9]  }
0x2d: {  	s3 =	simm.s32 $0x108;
	s8 =	sld [smem:$0x3FAA]  }
0x2e: {  	s3 =	simm.s32 @!p0 $0x1082;
	s9 =	sld [smem:$0x3FAB]  }
0x2f: {  	lr =	sadd.s32 s0, s3;
	s0 =	sld [smem:$0x3FA2]  }
0x30: {  	s3 =	sld [smem:$0x3FA5]  }
0x31: {  	[smem:$0x3FAE] =	sst s10  }
0x32: {  	s10 =	sld [smem:$0x3FAC];
	_ =	sdelay $0x3  }
0x33: {  	p0 =	seq.s32 s10, $0x1;
	s10 =	sld [smem:$0x3FAE];
	_ =	sdelay $0x3  }
0x34: {  	[smem:$0x3FAE] =	sst s10  }
0x35: {  	s10 =	sld [smem:$0x3FAD];
	_ =	sdelay $0x3  }
0x36: {  	p1 =	seq.s32 s10, $0x1;
	s10 =	sld [smem:$0x3FAE];
	_ =	sdelay $0x3  }
0x37: {  	[smem:$0x3FAE] =	sst s10  }
0x38: {  	s10 =	sld [smem:$0x3FAF]  }
0x39: {  	_ = 	snop;
	(pc) =	sbr.ind lr, $3  }
0x3a: {  	_ = 	snop  }
0x3b: {  	_ = 	snop  }
0x3c: {  	p2 =	seq.s32 s10, $0x1;
	s10 =	sld [smem:$0x3FAE]  }
0x3d: {  	_ =	shalt  }
0x3e: {  	_ =	shalt  }
0x3f: {  	_ =	shalt  }
0x40: {  	_ =	shalt  }
0x41: {  	_ =	shalt  }
0x42: {  	_ =	shalt  }
0x43: {  	_ =	shalt  }
0x44: {  	_ =	shalt  }
0x45: {  	_ =	shalt  }
0x46: {  	_ =	shalt  }
0x47: {  	_ =	shalt  }
0x48: {  	_ =	shalt  }
0x49: {  	_ =	shalt  }
0x4a: {  	_ =	shalt  }
0x4b: {  	_ =	shalt  }
0x4c: {  	_ =	shalt  }
0x4d: {  	_ =	shalt  }
0x4e: {  	_ =	shalt  }
0x4f: {  	_ =	shalt  }
0x50: {  	_ =	shalt  }
0x51: {  	_ =	shalt  }
0x52: {  	_ =	shalt  }
0x53: {  	_ =	shalt  }
0x54: {  	_ =	shalt  }
0x55: {  	_ =	shalt  }
0x56: {  	_ =	shalt  }
0x57: {  	_ =	shalt  }
0x58: {  	_ =	shalt  }
0x59: {  	_ =	shalt  }
0x5a: {  	_ =	shalt  }
0x5b: {  	_ =	shalt  }
0x5c: {  	_ =	shalt  }
0x5d: {  	_ =	shalt  }
0x5e: {  	_ =	shalt  }
0x5f: {  	_ =	shalt  }
0x60: {  	_ =	shalt  }
0x61: {  	_ =	shalt  }
0x62: {  	_ =	shalt  }
0x63: {  	_ =	shalt  }
0x64: {  	_ =	shalt  }
0x65: {  	_ =	shalt  }
0x66: {  	_ =	shalt  }
0x67: {  	_ =	shalt  }
0x68: {  	_ =	shalt  }
0x69: {  	_ =	shalt  }
0x6a: {  	_ =	shalt  }
0x6b: {  	_ =	shalt  }
0x6c: {  	_ =	shalt  }
0x6d: {  	_ =	shalt  }
0x6e: {  	_ =	shalt  }
0x6f: {  	_ =	shalt  }
0x70: {  	_ =	shalt  }
0x71: {  	_ =	shalt  }
0x72: {  	_ =	shalt  }
0x73: {  	_ =	shalt  }
0x74: {  	_ =	shalt  }
0x75: {  	_ =	shalt  }
0x76: {  	_ =	shalt  }
0x77: {  	_ =	shalt  }
0x78: {  	_ =	shalt  }
0x79: {  	_ =	shalt  }
0x7a: {  	_ =	shalt  }
0x7b: {  	_ =	shalt  }
0x7c: {  	_ =	shalt  }
0x7d: {  	_ =	shalt  }
0x7e: {  	_ =	shalt  }
0x7f: {  	_ =	shalt  }
0x80: {  	_ =	shalt  }
0x81: {  	_ =	shalt  }
0x82: {  	_ =	shalt  }
0x83: {  	_ =	shalt  }
0x84: {  	_ =	shalt  }
0x85: {  	_ =	shalt  }
0x86: {  	_ =	shalt  }
0x87: {  	_ =	shalt  }
.Lfunc_end0:
.L_simem_size_0:
called_computation_lowered:
.L_overlay_start_0:
0x88: {  	s2 =	sld [smem:$0x3FD9]  }
0x89: {  	s3 =	sld [smem:$0x3FFE];
	_ =	sdelay $0x1  }
0x8a: {  	s1 =	srdreg.scid  }
0x8b: {  	s0 =	sand.u32 $0x1, s1  }
0x8c: {  	s14 =	sshll.u32 s0, $0xA;
	s2 =	sadd.s32 s3, s2  }
0x8d: {  	s2 =	sadd.s32 s2, s14  }
0x8e: {  	[smem:$0x3FBA] =	sst s2  }
0x8f: {  	_ = 	snop  }
0x90: {  	s2 =	sld [smem:$0x3FD0];
	_ =	sdelay $0x2  }
0x91: {  	s15 =	simm.s32 $0xA;
	s4 =	simm.s32 $0x10  }
0x92: {  	[smem:s4], [sflag:s15] =	dma.local [hbm:s2], $0x1  }
0x93: {  	_ =	swait.eq [sflag:s15], $0x1  }
0x94: {  	[sflag:s15] =	ssyncset.done $0x0  }
0x95: {  	[sflag:s15] =	ssyncadd.s32 $0xFFFFFFFF  }
0x96: {  	s16 =	sld [smem:$0x11];
	(tm) =	ssettm $0x1  }
0x97: {  	s17 =	sld [smem:$0x3FFB];
	_ =	sdelay $0x3  }
0x98: {  	_ =	strace s17  }
0x99: {  	s3 =	sld [smem:$0x3FFC];
	_ =	sdelay $0x3  }
0x9a: {  	_ =	strace s3  }
0x9b: {  	s3 =	sld [smem:$0x3FFD];
	_ =	sdelay $0x3  }
0x9c: {  	_ =	strace s3  }
0x9d: {  	_ =	strace $0x8FFFFFFF  }
0x9e: {  	s18 =	sld [smem:$0x3FDB];
	_ =	sdelay $0x1  }
0x9f: {  	s19 =	simm.s32 $_scs_section_size  }
0xa0: {  	s5 =	simm.s32 $_size__tile_overlayer_lowered;
	s6 =	simm.s32 $_tile_overlayer_lowered  }
0xa1: {  	s22 =	simm.s32 $0x1BFF;
	s21 =	sshll.u32 s6, $0x1;
	s3 =	sadd.s32 s19, s18  }
0xa2: {  	s7 =	simm.s32 $0x0;
	s20 =	sshll.u32 s5, $0x1;
	s5 =	sadd.s32 s21, s3  }
0xa3: {  	[timem:s7], [sflag:s22] =	dma.local [hbm:s5], s20  }
0xa4: {  	_ =	swait.ge [sflag:s22], s20  }
0xa5: {  	s4 =	ssub.s32 $0x0, s20;
	[sflag:s22] =	ssyncset.done $0x0  }
0xa6: {  	[sflag:s22] =	ssyncadd.s32 s4;
	_ =	sdelay $0x1  }
0xa7: {  	s23 =	simm.s32 $0x1B8B  }
0xa8: {  	_ =	swait.ge [sflag:s23], $0x1  }
0xa9: {  	[sflag:s23] =	ssyncset.done $0x0  }
0xaa: {  	s25 =	simm.s32 $0x1B8E;
	s24 =	sld [smem:$0x3FFE];
	[sflag:s23] =	ssyncadd.s32 $0xFFFFFFFF  }
0xab: {  	s26 =	simm.s32 $execute0_lowered;
	[smem:$0x3FD2] =	sst s25  }
0xac: {  	s5 =	sshll.u32 s26, $0x1;
	_ =	strace $0x80000046;
	[dreg:$0x1] =	wrdreg $0xFFFFFFFF  }
0xad: {  	s28 =	simm.s32 $_size_execute0_lowered;
	s3 =	sadd.s32 s3, s5;
	[dreg:$0x0] =	wrdreg $0x0  }
0xae: {  	s5 =	sshll.u32 s28, $0x1;
	[dreg:$0x2] =	wrdreg s3  }
0xaf: {  	[dreg:$0x3] =	wrdreg s5  }
0xb0: {  	[dreg:$0x4] =	wrdreg $0xC0  }
0xb1: {  	_ =	task [dreg:s7], $0x5FFFF  }
0xb2: {  	[dreg:$0x1] =	wrdreg $0xFFFFFFFF  }
0xb3: {  	[dreg:$0x0] =	wrdreg $0x60  }
0xb4: {  	[dreg:$0x2] =	wrdreg s24  }
0xb5: {  	[dreg:$0x3] =	wrdreg s16  }
0xb6: {  	[dreg:$0x4] =	wrdreg $0x9  }
0xb7: {  	_ =	task.clear_ibuf [dreg:s7], $0x5FFFF;
	_ =	strace $0x90000046  }
0xb8: {  	s29 =	simm.s32 $0x9;
	_ =	strace $0x80000048  }
0xb9: {  	_ =	swait.ge [sflag:s29], $0x1  }
0xba: {  	[sflag:s29] =	ssyncadd.s32 $0xFFFFFFFF  }
0xbb: {  	_ =	strace $0x90000048  }
0xbc: {  	_ =	sfence  }
0xbd: {  	s30 =	sld [smem:$0x0];
	_ =	sdelay $0x2  }
0xbe: {  	s31 =	sshll.u32 s1, $0xD;
	s1 =	sshrl.u32 s1, $0x2  }
0xbf: {  	s3 =	sand.u32 $0x4000, s31;
	s1 =	sadd.s32 s1, s30  }
0xc0: {  	s0 =	sor.u32 s3, s0;
	s1 =	sshll.u32 s1, $0x11  }
0xc1: {  	s0 =	sor.u32 s1, s0  }
0xc2: {  	s0 =	sadd.s32 $0x8F2B, s0  }
0xc3: {  	[sflag:s0] =	ssyncadd.remote.s32 $0x1  }
0xc4: {  	_ =	sfence.sel $0xFFFF  }
0xc5: {  	[dreg:$0x0] =	wrdreg $0xFFFFFFFF;
	(pc) =	sbr.abs _section_cstart, $3  }
0xc6: {  	[dreg:$0x1] =	wrdreg $0xFFFFFFFF  }
0xc7: {  	_ =	task.clear_ibuf [dreg:s7], $0x2FFFF;
	_ =	strace $0x9FFFFFFF  }
0xc8: {  	(tm) =	ssettm $0x7FFFFFFF  }
0xc9: {  	_ =	shalt  }
tec
execute0_lowered:
.L_overlay_start_1:
0x0: {  	(tag) =	ssettag $0x1  }
0x1: {  	s4 =	rddreg [dreg:$0x0]  }
0x2: {  	s6 =	rddreg [dreg:$0x1]  }
0x3: {  	s0 =	rddreg [dreg:$0x2];
	s2 =	simm.s32 $0x0;
	s1 =	stileid.u32  }
0x4: {  	s3 =	srdreg.scid;
	[smem:$0x7FF] =	sst s2  }
0x5: {  	s5 =	sshll.u32 s1, $0x10;
	s7 =	sand.u32 $0x1, s3;
	s3 =	sadd.s32 $0x2400, s4  }
0x6: {  	s9 =	sshll.u32 s1, $0xE;
	_ =	strace $0x80000047;
	s5 =	sadd.s32 s5, s4  }
0x7: {  	s29 =	ssub.s32 $0x2, s7;
	s10 =	sshll.u32 s7, $0xD;
	s7 =	sshll.u32 s7, $0xF  }
0x8: {  	s8 =	sshrl.u32 s29, $0x1;
	s30 =	sor.u32 s10, s9;
	s5 =	sadd.s32 s7, s5  }
0x9: {  	s7 =	simm.s32 $0x2;
	s9 =	simm.s32 $0x1;
	s10 =	simm.s32 $0x0  }
0xa: {  	s4 =	ssub.s32 s29, s8;
	s31 =	sshrl.u32 s30, $0x3;
	s5 =	sadd.s32 $0x22400, s5  }
0xb: {  	s8 =	simm.s32 $0x400;
	s4 =	smax.u32 s4, $0x1;
	s6 =	sadd.s32 s31, s6  }
.LBB2_1:
0xc: {  	s11 =	sadd.s32 $0x0, s6  }
0xd: {  	[tilespmem:s2], [sflag:$0x2] =	stream.linear.gather [hbm4b:s11+s2], $0x400, $0x38;
	[tilespmem:$0x8400] =	vst v63  }
0xe: {  	_ =	swait.ge [sflag:s7], $0x400  }
0xf: {  	[sflag:s7] =	ssyncset.done $0x0  }
0x10: {  	[sflag:s7] =	ssyncadd.s32 $0xFFFFFC00  }
0x11: {  	[tilespmem:s8], [sflag:$0x1] =	stream.indirect.gather [hbm4b:s3+s8], $0x20, s2, s8, $0xb8;
	[tilespmem:$0x8400] =	vst v63  }
0x12: {  	_ =	swait.ge [sflag:s9], $0x8000  }
0x13: {  	[sflag:s9] =	ssyncset.done $0x0  }
0x14: {  	[sflag:s9] =	ssyncadd.s32 $0xFFFF8000  }
0x15: {  	[hbm4b:s5+s2] =	stream.linear.scatter [tilespmem:s8], [sflag:$0x2], $0x8000, $0x38;
	[tilespmem:$0x8400] =	vst v63  }
0x16: {  	s12 =	simm.s32 $0x80;
	_ =	swait.ge [sflag:s7], $0x8000  }
0x17: {  	s13 =	simm.s32 $0x100;
	s11 =	sadd.s32 $0x1000, s5;
	[sflag:s7] =	ssyncset.done $0x0  }
.LBB2_2:
0x18: {  	s14 =	sadd.s32 s12, s6  }
0x19: {  	[sflag:s7] =	ssyncadd.s32 $0xFFFF8000;
	s12 =	smov.u32 s13;
	s15 =	sadd.s32 $0x80, s13  }
0x1a: {  	[tilespmem:s2], [sflag:$0x2] =	stream.linear.gather [hbm4b:s14+s2], $0x400, $0x38;
	[tilespmem:$0x8400] =	vst v63  }
0x1b: {  	p0 =	sne.s32 s13, $0x380;
	_ =	swait.ge [sflag:s7], $0x400  }
0x1c: {  	[sflag:s7] =	ssyncset.done $0x0  }
0x1d: {  	[sflag:s7] =	ssyncadd.s32 $0xFFFFFC00  }
0x1e: {  	[tilespmem:s8], [sflag:$0x1] =	stream.indirect.gather [hbm4b:s3+s8], $0x20, s2, s8, $0xb8;
	[tilespmem:$0x8400] =	vst v63  }
0x1f: {  	_ =	swait.ge [sflag:s9], $0x8000  }
.Ltmp0:
0x20: {  	[sflag:s9] =	ssyncset.done $0x0;
	(pc) =	sbr.rel @p0 .LBB2_2-.Ltmp0, $4  }
0x21: {  	[sflag:s9] =	ssyncadd.s32 $0xFFFF8000  }
0x22: {  	[hbm4b:s11+s2] =	stream.linear.scatter [tilespmem:s8], [sflag:$0x2], $0x8000, $0x38;
	[tilespmem:$0x8400] =	vst v63  }
0x23: {  	_ =	swait.ge [sflag:s7], $0x8000  }
0x24: {  	s13 =	smov.u32 s15;
	s11 =	sadd.s32 $0x1000, s11;
	[sflag:s7] =	ssyncset.done $0x0  }
0x25: {  	s12 =	sadd.s32 s12, s6;
	[sflag:s7] =	ssyncadd.s32 $0xFFFF8000  }
0x26: {  	[tilespmem:s2], [sflag:$0x2] =	stream.linear.gather [hbm4b:s12+s2], $0x400, $0x38;
	[tilespmem:$0x8400] =	vst v63  }
0x27: {  	_ =	swait.ge [sflag:s7], $0x400  }
0x28: {  	[sflag:s7] =	ssyncset.done $0x0  }
0x29: {  	[sflag:s7] =	ssyncadd.s32 $0xFFFFFC00  }
0x2a: {  	[tilespmem:s8], [sflag:$0x1] =	stream.indirect.gather [hbm4b:s3+s8], $0x20, s2, s8, $0xb8;
	[tilespmem:$0x8400] =	vst v63  }
0x2b: {  	s10 =	sadd.s32 $0x1, s10;
	_ =	swait.ge [sflag:s9], $0x8000  }
0x2c: {  	p0 =	sne.s32 s10, s4;
	[sflag:s9] =	ssyncset.done $0x0  }
.Ltmp1:
0x2d: {  	[sflag:s9] =	ssyncadd.s32 $0xFFFF8000;
	(pc) =	sbr.rel @p0 .LBB2_1-.Ltmp1, $4  }
0x2e: {  	[hbm4b:s11+s2] =	stream.linear.scatter [tilespmem:s8], [sflag:$0x2], $0x8000, $0x38;
	[tilespmem:$0x8400] =	vst v63  }
0x2f: {  	_ =	swait.ge [sflag:s7], $0x8000  }
0x30: {  	[sflag:s7] =	ssyncset.done $0x0  }
0x31: {  	[sflag:s7] =	ssyncadd.s32 $0xFFFF8000  }
0x32: {  	_ =	sfence.sel $0x180000  }
0x33: {  	[bflag:$0x0] =	sbarrier.arrive $0xFFFF  }
0x34: {  	p0 =	sne.s32 s1, $0x0;
	_ =	strace $0x90000047  }
0x35: {  	s0 =	sadd.s32 @!p0 $0x100000, s0;
	[bflag:$0x2] =	sbarrier.arrive $0xFFFF  }
0x36: {  	[sflag:s0] =	ssyncadd.tile.s32 @!p0 $0x1;
	_ =	shalt  }
.Lfunc_end2:
_tile_overlayer_lowered:
.L_overlay_start_2:
0x37: {  	(tag) =	ssettag $0x2  }
0x38: {  	s0 =	rddreg [dreg:$0x0];
	s2 =	stileid.u32  }
0x39: {  	s1 =	rddreg [dreg:$0x1];
	p0 =	sne.s32 s2, $0x0  }
0x3a: {  	s3 =	rddreg [dreg:$0x2];
	[bflag:$0x3] =	sbarrier.arrive $0xFFFF;
	s2 =	simm.s32 @!p0 $0x1C02  }
0x3b: {  	[timem:s3], [sflag:s2] =	dma.local @!p0 [hbm:s0], s1  }
0x3c: {  	s0 =	simm.s32 @!p0 $0x2  }
0x3d: {  	_ =	swait.ge @!p0 [sflag:s0], s1  }
0x3e: {  	s1 =	ssub.s32 @!p0 $0x0, s1;
	[sflag:s0] =	ssyncset.done @!p0 $0x0  }
0x3f: {  	[sflag:s0] =	ssyncadd.s32 @!p0 s1  }
0x40: {  	[bflag:$0x3] =	sbarrier.arrive $0xFFFF  }
0x41: {  	_ =	shalt  }

</sc_bundles>
